<compile_context>
chip_gen: v7x
topology: tpu7x:2x2x1
jax: 0.10.2.dev20260603
libtpu: 0.0.44.dev20260713+nightly
codegen_flags: <defaults>
</compile_context>

<pallas_src>
import functools

import jax
import jax.numpy as jnp
from jax import lax
from jax.experimental import pallas as pl
from jax.experimental.pallas import tpu as pltpu
from jax.experimental.pallas import tpu_sc as plsc

N = 10000
E = 320000
D = 128

NC = 2
NS = 16
NW = NC * NS
L = 16

CHUNK = 128
NCHUNK = 80
PHC = 40
EPW = CHUNK * NCHUNK
EPAD = EPW * NW
NPAD = 10112
RPT = NPAD // NS
UW = 144
P1W = 16

_f32 = jnp.float32



def _tca_body(wh_ref, a_ref, s_ref, t_ref):
    wh = wh_ref[...]
    st = jnp.dot(wh, a_ref[...], preferred_element_type=_f32)
    s_ref[...] = st[:, 0:1]
    t_ref[...] = st[:, 1:2]


_tca = pl.pallas_call(
    _tca_body,
    out_shape=(
        jax.ShapeDtypeStruct((NPAD, 1), _f32),
        jax.ShapeDtypeStruct((NPAD, 1), _f32),
    ),
)


def _tcb_body(a1_ref, a2_ref, t_ref, wh_ref, v_ref, e_ref):
    c1 = a1_ref[0] + a1_ref[1]
    c2 = a2_ref[0] + a2_ref[1]
    alpha = c2 + t_ref[...] * c1
    mask = lax.broadcasted_iota(jnp.int32, (NPAD, 1), 0) < N
    neg = jnp.full((NPAD, 1), -jnp.inf, _f32)
    m = jnp.max(jnp.where(mask, alpha, neg))
    aexp = jnp.where(mask, jnp.exp(alpha - m), jnp.zeros((NPAD, 1), _f32))
    v_ref[...] = aexp * wh_ref[...]
    e_ref[...] = aexp


_tcb = pl.pallas_call(
    _tcb_body,
    out_shape=(
        jax.ShapeDtypeStruct((NPAD, D), _f32),
        jax.ShapeDtypeStruct((NPAD, 1), _f32),
    ),
)


def _tcc_body(acc_ref, den_ref, o_ref):
    num = acc_ref[0, 0:N, :] + acc_ref[1, 0:N, :]
    den = den_ref[0, 0:N] + den_ref[1, 0:N]
    x = num / (den + 1e-9)
    o_ref[...] = jnp.where(x > 0, x, jnp.exp(x) - 1.0)


_tcc = pl.pallas_call(
    _tcc_body,
    out_shape=jax.ShapeDtypeStruct((N, D), _f32),
)



def _sc_mesh():
    return plsc.VectorSubcoreMesh(
        core_axis_name="c", subcore_axis_name="s",
        num_cores=NC, num_subcores=NS)


def _sc1_body(s_hbm, src_hbm, dst_hbm, ew_hbm, out1_hbm, out2_hbm,
              src_v, dst_v, ew_v, sval_v, prod_v, zb_v,
              acc1_sh, acc2_sh, sem):
    cid = lax.axis_index("c")
    sid = lax.axis_index("s")
    wid = sid * NC + cid

    pltpu.sync_copy(src_hbm.at[wid], src_v)
    pltpu.sync_copy(dst_hbm.at[wid], dst_v)
    pltpu.sync_copy(ew_hbm.at[wid], ew_v)

    zv = jnp.zeros((L,), _f32)

    @pl.loop(0, (RPT + L - 1) // L)
    def _z(i):
        zb_v[pl.ds(i * L, L)] = zv

    pltpu.sync_copy(zb_v.at[pl.ds(0, RPT)], acc1_sh.at[pl.ds(sid * RPT, RPT)])
    pltpu.sync_copy(zb_v.at[pl.ds(0, RPT)], acc2_sh.at[pl.ds(sid * RPT, RPT)])
    plsc.subcore_barrier()

    @pl.loop(0, NCHUNK)
    def _chunk(j):
        pltpu.async_copy(s_hbm.at[src_v.at[j]], sval_v, sem).wait()
        for i in range(CHUNK // L):
            sl = pl.ds(i * L, L)
            prod_v[sl] = sval_v[sl] * ew_v[j, sl]
        pltpu.sync_copy(ew_v.at[j], acc1_sh.at[dst_v.at[j]], add=True)
        pltpu.sync_copy(prod_v, acc2_sh.at[dst_v.at[j]], add=True)

    plsc.subcore_barrier()
    pltpu.sync_copy(acc1_sh.at[pl.ds(sid * RPT, RPT)], zb_v.at[pl.ds(0, RPT)])
    pltpu.sync_copy(zb_v.at[pl.ds(0, RPT)],
                    out1_hbm.at[pl.ds(cid * NPAD + sid * RPT, RPT)])
    pltpu.sync_copy(acc2_sh.at[pl.ds(sid * RPT, RPT)], zb_v.at[pl.ds(0, RPT)])
    pltpu.sync_copy(zb_v.at[pl.ds(0, RPT)],
                    out2_hbm.at[pl.ds(cid * NPAD + sid * RPT, RPT)])


def _make_sc1():
    return pl.kernel(
        _sc1_body,
        out_type=(
            jax.ShapeDtypeStruct((NC * NPAD,), _f32),
            jax.ShapeDtypeStruct((NC * NPAD,), _f32),
        ),
        mesh=_sc_mesh(),
        scratch_types=[
            pltpu.VMEM((NCHUNK, CHUNK), jnp.int32),
            pltpu.VMEM((NCHUNK, CHUNK), jnp.int32),
            pltpu.VMEM((NCHUNK, CHUNK), _f32),
            pltpu.VMEM((CHUNK,), _f32),
            pltpu.VMEM((CHUNK,), _f32),
            pltpu.VMEM((RPT + 8,), _f32),
            pltpu.VMEM_SHARED((NPAD,), _f32),
            pltpu.VMEM_SHARED((NPAD,), _f32),
            pltpu.SemaphoreType.DMA,
        ],
    )


_WCHUNKS = (CHUNK, CHUNK, CHUNK, CHUNK, RPT - 4 * CHUNK)


def _sc2_body(v_hbm, e_hbm, src_hbm, dst_hbm, out_hbm, den_hbm,
              src_v, dst_v, rows_v, ev_v, zb_v,
              acc_sh, den_sh, sem, sem2):
    cid = lax.axis_index("c")
    sid = lax.axis_index("s")
    wid = sid * NC + cid

    zv = jnp.zeros((L,), _f32)

    @pl.loop(0, CHUNK)
    def _z(i):
        for k in range(D // L):
            rows_v[i, pl.ds(k * L, L)] = zv

    @pl.loop(0, (RPT + L - 1) // L)
    def _z2(i):
        zb_v[pl.ds(i * L, L)] = zv

    off = 0
    for w in _WCHUNKS:
        pltpu.sync_copy(rows_v.at[pl.ds(0, w)],
                        acc_sh.at[pl.ds(sid * RPT + off, w)])
        off += w
    pltpu.sync_copy(zb_v.at[pl.ds(0, RPT)], den_sh.at[pl.ds(sid * RPT, RPT)])
    plsc.subcore_barrier()

    pltpu.sync_copy(src_hbm.at[wid], src_v)
    pltpu.sync_copy(dst_hbm.at[wid], dst_v)

    @pl.loop(0, NCHUNK)
    def _chunk(j):
        cp1 = pltpu.async_copy(v_hbm.at[src_v.at[j]], rows_v, sem)
        cp2 = pltpu.async_copy(e_hbm.at[src_v.at[j]], ev_v, sem2)
        cp1.wait()
        cp2.wait()
        pltpu.sync_copy(rows_v, acc_sh.at[dst_v.at[j]], add=True)
        pltpu.sync_copy(ev_v, den_sh.at[dst_v.at[j]], add=True)

    plsc.subcore_barrier()
    off = 0
    for w in _WCHUNKS:
        pltpu.sync_copy(acc_sh.at[pl.ds(sid * RPT + off, w)],
                        rows_v.at[pl.ds(0, w)])
        pltpu.sync_copy(rows_v.at[pl.ds(0, w)],
                        out_hbm.at[cid, pl.ds(sid * RPT + off, w)])
        off += w
    pltpu.sync_copy(den_sh.at[pl.ds(sid * RPT, RPT)], zb_v.at[pl.ds(0, RPT)])
    pltpu.sync_copy(zb_v.at[pl.ds(0, RPT)],
                    den_hbm.at[pl.ds(cid * NPAD + sid * RPT, RPT)])


def _make_sc2():
    return pl.kernel(
        _sc2_body,
        out_type=(
            jax.ShapeDtypeStruct((NC, NPAD, D), _f32),
            jax.ShapeDtypeStruct((NC * NPAD,), _f32),
        ),
        mesh=_sc_mesh(),
        scratch_types=[
            pltpu.VMEM((NCHUNK, CHUNK), jnp.int32),
            pltpu.VMEM((NCHUNK, CHUNK), jnp.int32),
            pltpu.VMEM((CHUNK, D), _f32),
            pltpu.VMEM((CHUNK,), _f32),
            pltpu.VMEM((RPT + 8,), _f32),
            pltpu.VMEM_SHARED((NPAD, D), _f32),
            pltpu.VMEM_SHARED((NPAD,), _f32),
            pltpu.SemaphoreType.DMA,
            pltpu.SemaphoreType.DMA,
        ],
    )



@jax.jit
def _run(h, edge_index, edge_weight, W, a):
    src = edge_index[0].astype(jnp.int32)
    dst = edge_index[1].astype(jnp.int32)
    ew = edge_weight.astype(_f32)

    pad_e = EPAD - E
    padi = jnp.full((pad_e,), N, jnp.int32)
    src_r = jnp.concatenate([src, padi]).reshape(NW, NCHUNK, CHUNK)
    dst_r = jnp.concatenate([dst, padi]).reshape(NW, NCHUNK, CHUNK)
    ew_r = jnp.concatenate([ew, jnp.zeros((pad_e,), _f32)]
                           ).reshape(NW, NCHUNK, CHUNK)
    a2d = a.reshape(2, D)

    wh_n = jnp.dot(h, W)
    wh = jnp.concatenate([wh_n, jnp.zeros((NPAD - N, D), _f32)], axis=0)
    s, t = _tca(wh, a2d.T)

    c1, c2 = _make_sc1()(s.reshape(NPAD), src_r, dst_r, ew_r)

    v, aexp = _tcb(c1.reshape(NC, NPAD, 1), c2.reshape(NC, NPAD, 1), t, wh)

    acc, den = _make_sc2()(v, aexp.reshape(NPAD), src_r, dst_r)

    return _tcc(acc, den.reshape(NC, NPAD, 1))


def kernel(h, edge_index, edge_weight, W, a):
    return _run(h, edge_index, edge_weight, W, a)

# --- scband reference (transcript-rebuilt; emitter-appended) ---
"""Pipeline reference for scband-gatconv-sparse-57363583205823 (READ-ONLY COPY).

The authoritative reference and input builder live on the scoring server;
editing this copy changes nothing except your own understanding.
"""

import jax, jax.numpy as jnp
import numpy as np

N = 10000
E = 320000
IN_DIM = 128
OUT_DIM = 128


def setup_inputs(seed: int = 0) -> dict:
    key = jax.random.key(seed)
    k1, k2, k3, k4, k5 = jax.random.split(key, 5)
    h = jax.random.normal(k1, (N, IN_DIM), dtype=jnp.float32)
    edge_index = jax.random.randint(k2, (2, E), 0, N)
    edge_weight = jax.random.uniform(k3, (E,), dtype=jnp.float32)
    # Learned params: W ~ Linear(in_dim, out_dim, bias=False), a ~ Linear(2*out_dim, 1, bias=False)
    W = jax.random.normal(k4, (IN_DIM, OUT_DIM), dtype=jnp.float32) / np.sqrt(IN_DIM)
    a = jax.random.normal(k5, (2 * OUT_DIM,), dtype=jnp.float32) / np.sqrt(2 * OUT_DIM)
    return {"h": h, "edge_index": edge_index, "edge_weight": edge_weight, "W": W, "a": a}


def reference(h, edge_index, edge_weight, W, a):
    # Wh = self.W(h)
    Wh = h @ W                                   # (N, out_dim)
    src = edge_index[0]
    dst = edge_index[1]
    # e = cat([Wh[src], Wh[dst]], -1); alpha = self.a(e).squeeze(-1)
    e = jnp.concatenate([Wh[src], Wh[dst]], axis=-1)   # (E, 2*out_dim)
    alpha = e @ a                                      # (E,)
    alpha = alpha * edge_weight                        # edge_weight provided
    # torch has no softmax_like_scatter -> hasattr False -> plain scatter_add of alpha
    alpha_node = jnp.zeros((h.shape[0],), dtype=h.dtype).at[dst].add(alpha)   # (N,)
    alpha_exp = jnp.exp(alpha_node - jnp.max(alpha_node))                      # (N,)
    denom = jnp.zeros((h.shape[0],), dtype=h.dtype).at[dst].add(alpha_exp[src])
    alpha_norm = alpha_exp[src] / (denom[dst] + 1e-09)                         # (E,)
    # dropout in eval mode -> identity
    out = jnp.zeros_like(Wh).at[dst].add(alpha_norm[:, None] * Wh[src])        # (N, out_dim)
    return jax.nn.elu(out)

if __name__ == "__main__":
    import jax
    _d = setup_inputs()
    print(jax.jit(kernel)(*tuple(_d.values())))

</pallas_src>

<mosaic_0001>
#map = affine_map<(d0, d1) -> (0, 0)>
#map1 = affine_map<(d0, d1) -> (0)>
#map2 = affine_map<(d0, d1) -> (0, 0, 0)>
module attributes {stable_mosaic.version = 14 : i64} {
  func.func @_sc2_body(%arg0: i32, %arg1: i32, %arg2: memref<10112x128xf32, #tpu.memory_space<hbm>>, %arg3: memref<10112xf32, #tpu.memory_space<hbm>>, %arg4: memref<32x80x128xi32, #tpu.memory_space<hbm>>, %arg5: memref<32x80x128xi32, #tpu.memory_space<hbm>>, %arg6: memref<2x10112x128xf32, #tpu.memory_space<hbm>>, %arg7: memref<20224xf32, #tpu.memory_space<hbm>>, %arg8: memref<80x128xi32, #tpu.memory_space<vmem>>, %arg9: memref<80x128xi32, #tpu.memory_space<vmem>>, %arg10: memref<128x128xf32, #tpu.memory_space<vmem>>, %arg11: memref<128xf32, #tpu.memory_space<vmem>>, %arg12: memref<640xf32, #tpu.memory_space<vmem>>, %arg13: memref<10112x128xf32, #tpu.memory_space<vmem_shared>>, %arg14: memref<10112xf32, #tpu.memory_space<vmem_shared>>, %arg15: memref<!tpu.dma_semaphore, #tpu.memory_space<semaphore_mem>>, %arg16: memref<!tpu.dma_semaphore, #tpu.memory_space<semaphore_mem>>) attributes {dimension_semantics = [#tpu.dimension_semantics<core_parallel>, #tpu.dimension_semantics<subcore_parallel>], iteration_bounds = array<i64: 2, 16>, scalar_prefetch = 0 : i64, scratch_operands = 9 : i64, tpu.core_type = #tpu.core_type<sc_vector_subcore>, window_params = [{transform_indices = #map}, {transform_indices = #map1}, {transform_indices = #map2}, {transform_indices = #map2}, {transform_indices = #map2}, {transform_indices = #map1}]} {
    %mul3A = arith.constant 2 : i32
    %mul3A_0 = arith.muli %arg1, %mul3A : i32
    %add3A = arith.addi %mul3A_0, %arg0 : i32
    %broadcast_in_dim3A = arith.constant 0.000000e+00 : f32
    %broadcast_in_dim3A_1 = vector.broadcast %broadcast_in_dim3A : f32 to vector<16xf32>
    %scan3A = arith.constant 0 : i32
    %scan3A_2 = arith.constant 128 : i32
    %scan3A_3 = arith.addi %scan3A, %scan3A_2 : i32
    %scan3A_4 = arith.constant 1 : i32
    scf.for %scan3A_86 = %scan3A to %scan3A_3 step %scan3A_4  : i32 {
      %mul3A_87 = arith.constant 1 : i32
      %mul3A_88 = arith.muli %scan3A_86, %mul3A_87 : i32
      %add3A_89 = arith.constant 0 : i32
      %add3A_90 = arith.addi %add3A_89, %mul3A_88 : i32
      %swap3A = arith.index_cast %add3A_90 : i32 to index
      %swap3A_91 = arith.constant 0 : index
      %swap3A_92 = tpu.vector_load %arg10[%swap3A, %swap3A_91] {strides = array<i32>} : memref<128x128xf32, #tpu.memory_space<vmem>>, vector<1x16xf32>,
      %swap3A_93 = vector.shape_cast %swap3A_92 : vector<1x16xf32> to vector<16xf32>
      %swap3A_94 = vector.shape_cast %broadcast_in_dim3A_1 : vector<16xf32> to vector<1x16xf32>
      tpu.vector_store %arg10[%swap3A, %swap3A_91], %swap3A_94 {strides = array<i32>} : memref<128x128xf32, #tpu.memory_space<vmem>>, vector<1x16xf32>,
      %swap3A_95 = arith.index_cast %add3A_90 : i32 to index
      %swap3A_96 = arith.constant 16 : index
      %swap3A_97 = tpu.vector_load %arg10[%swap3A_95, %swap3A_96] {strides = array<i32>} : memref<128x128xf32, #tpu.memory_space<vmem>>, vector<1x16xf32>,
      %swap3A_98 = vector.shape_cast %swap3A_97 : vector<1x16xf32> to vector<16xf32>
      %swap3A_99 = vector.shape_cast %broadcast_in_dim3A_1 : vector<16xf32> to vector<1x16xf32>
      tpu.vector_store %arg10[%swap3A_95, %swap3A_96], %swap3A_99 {strides = array<i32>} : memref<128x128xf32, #tpu.memory_space<vmem>>, vector<1x16xf32>,
      %swap3A_100 = arith.index_cast %add3A_90 : i32 to index
      %swap3A_101 = arith.constant 32 : index
      %swap3A_102 = tpu.vector_load %arg10[%swap3A_100, %swap3A_101] {strides = array<i32>} : memref<128x128xf32, #tpu.memory_space<vmem>>, vector<1x16xf32>,
      %swap3A_103 = vector.shape_cast %swap3A_102 : vector<1x16xf32> to vector<16xf32>
      %swap3A_104 = vector.shape_cast %broadcast_in_dim3A_1 : vector<16xf32> to vector<1x16xf32>
      tpu.vector_store %arg10[%swap3A_100, %swap3A_101], %swap3A_104 {strides = array<i32>} : memref<128x128xf32, #tpu.memory_space<vmem>>, vector<1x16xf32>,
      %swap3A_105 = arith.index_cast %add3A_90 : i32 to index
      %swap3A_106 = arith.constant 48 : index
      %swap3A_107 = tpu.vector_load %arg10[%swap3A_105, %swap3A_106] {strides = array<i32>} : memref<128x128xf32, #tpu.memory_space<vmem>>, vector<1x16xf32>,
      %swap3A_108 = vector.shape_cast %swap3A_107 : vector<1x16xf32> to vector<16xf32>
      %swap3A_109 = vector.shape_cast %broadcast_in_dim3A_1 : vector<16xf32> to vector<1x16xf32>
      tpu.vector_store %arg10[%swap3A_105, %swap3A_106], %swap3A_109 {strides = array<i32>} : memref<128x128xf32, #tpu.memory_space<vmem>>, vector<1x16xf32>,
      %swap3A_110 = arith.index_cast %add3A_90 : i32 to index
      %swap3A_111 = arith.constant 64 : index
      %swap3A_112 = tpu.vector_load %arg10[%swap3A_110, %swap3A_111] {strides = array<i32>} : memref<128x128xf32, #tpu.memory_space<vmem>>, vector<1x16xf32>,
      %swap3A_113 = vector.shape_cast %swap3A_112 : vector<1x16xf32> to vector<16xf32>
      %swap3A_114 = vector.shape_cast %broadcast_in_dim3A_1 : vector<16xf32> to vector<1x16xf32>
      tpu.vector_store %arg10[%swap3A_110, %swap3A_111], %swap3A_114 {strides = array<i32>} : memref<128x128xf32, #tpu.memory_space<vmem>>, vector<1x16xf32>,
      %swap3A_115 = arith.index_cast %add3A_90 : i32 to index
      %swap3A_116 = arith.constant 80 : index
      %swap3A_117 = tpu.vector_load %arg10[%swap3A_115, %swap3A_116] {strides = array<i32>} : memref<128x128xf32, #tpu.memory_space<vmem>>, vector<1x16xf32>,
      %swap3A_118 = vector.shape_cast %swap3A_117 : vector<1x16xf32> to vector<16xf32>
      %swap3A_119 = vector.shape_cast %broadcast_in_dim3A_1 : vector<16xf32> to vector<1x16xf32>
      tpu.vector_store %arg10[%swap3A_115, %swap3A_116], %swap3A_119 {strides = array<i32>} : memref<128x128xf32, #tpu.memory_space<vmem>>, vector<1x16xf32>,
      %swap3A_120 = arith.index_cast %add3A_90 : i32 to index
      %swap3A_121 = arith.constant 96 : index
      %swap3A_122 = tpu.vector_load %arg10[%swap3A_120, %swap3A_121] {strides = array<i32>} : memref<128x128xf32, #tpu.memory_space<vmem>>, vector<1x16xf32>,
      %swap3A_123 = vector.shape_cast %swap3A_122 : vector<1x16xf32> to vector<16xf32>
      %swap3A_124 = vector.shape_cast %broadcast_in_dim3A_1 : vector<16xf32> to vector<1x16xf32>
      tpu.vector_store %arg10[%swap3A_120, %swap3A_121], %swap3A_124 {strides = array<i32>} : memref<128x128xf32, #tpu.memory_space<vmem>>, vector<1x16xf32>,
      %swap3A_125 = arith.index_cast %add3A_90 : i32 to index
      %swap3A_126 = arith.constant 112 : index
      %swap3A_127 = tpu.vector_load %arg10[%swap3A_125, %swap3A_126] {strides = array<i32>} : memref<128x128xf32, #tpu.memory_space<vmem>>, vector<1x16xf32>,
      %swap3A_128 = vector.shape_cast %swap3A_127 : vector<1x16xf32> to vector<16xf32>
      %swap3A_129 = vector.shape_cast %broadcast_in_dim3A_1 : vector<16xf32> to vector<1x16xf32>
      tpu.vector_store %arg10[%swap3A_125, %swap3A_126], %swap3A_129 {strides = array<i32>} : memref<128x128xf32, #tpu.memory_space<vmem>>, vector<1x16xf32>,
    }
    %scan3A_5 = arith.constant 128 : i32
    %scan3A_6 = arith.constant 0 : i32
    %scan3A_7 = arith.constant 40 : i32
    %scan3A_8 = arith.addi %scan3A_6, %scan3A_7 : i32
    %scan3A_9 = arith.constant 1 : i32
    scf.for %scan3A_86 = %scan3A_6 to %scan3A_8 step %scan3A_9  : i32 {
      %mul3A_87 = arith.constant 1 : i32
      %mul3A_88 = arith.muli %scan3A_86, %mul3A_87 : i32
      %add3A_89 = arith.constant 0 : i32
      %add3A_90 = arith.addi %add3A_89, %mul3A_88 : i32
      %mul3A_91 = arith.constant 16 : i32
      %mul3A_92 = arith.muli %add3A_90, %mul3A_91 : i32
      %swap3A = arith.index_cast %mul3A_92 : i32 to index
      %swap3A_93 = tpu.vector_load %arg12[%swap3A] {strides = array<i32>} : memref<640xf32, #tpu.memory_space<vmem>>, vector<16xf32>,
      %swap3A_94 = vector.shape_cast %swap3A_93 : vector<16xf32> to vector<16xf32>
      %swap3A_95 = vector.shape_cast %broadcast_in_dim3A_1 : vector<16xf32> to vector<16xf32>
      tpu.vector_store %arg12[%swap3A], %swap3A_95 {strides = array<i32>} : memref<640xf32, #tpu.memory_space<vmem>>, vector<16xf32>,
    }
    %scan3A_10 = arith.constant 40 : i32
    %mul3A_11 = arith.constant 632 : i32
    %mul3A_12 = arith.muli %arg1, %mul3A_11 : i32
    %add3A_13 = arith.constant 0 : i32
    %add3A_14 = arith.addi %mul3A_12, %add3A_13 : i32
    "tpu.region"() ({
      %run_scoped3A = tpu.sem_alloc : memref<!tpu.dma_semaphore, #tpu.memory_space<semaphore_mem>>
      %dma_start3A = arith.constant 0 : i32
      %dma_start3A_86 = arith.constant 0 : i32
      %dma_start3A_87 = tpu.memref_slice %arg10[%dma_start3A, %dma_start3A_86] : memref<128x128xf32, #tpu.memory_space<vmem>> -> memref<128x128xf32, #tpu.memory_space<vmem>>
      %dma_start3A_88 = arith.constant 0 : i32
      %dma_start3A_89 = tpu.memref_slice %arg13[%add3A_14, %dma_start3A_88] : memref<10112x128xf32, #tpu.memory_space<vmem_shared>> -> memref<128x128xf32, #tpu.memory_space<vmem_shared>>
      %dma_start3A_90 = arith.constant 0 : i32
      %dma_start3A_91 = tpu.memref_slice %arg13[%add3A_14, %dma_start3A_90] : memref<10112x128xf32, #tpu.memory_space<vmem_shared>> -> memref<128x128xf32, #tpu.memory_space<vmem_shared>>
      %dma_start3A_92 = arith.constant 0 : i32
      %dma_start3A_93 = arith.constant 0 : i32
      %dma_start3A_94 = tpu.memref_slice %arg10[%dma_start3A_92, %dma_start3A_93] : memref<128x128xf32, #tpu.memory_space<vmem>> -> memref<128x128xf32, #tpu.memory_space<vmem>>
      tpu.enqueue_dma source(%dma_start3A_94 : memref<128x128xf32, #tpu.memory_space<vmem>>) target(%dma_start3A_91 : memref<128x128xf32, #tpu.memory_space<vmem_shared>>) target_semaphore(%run_scoped3A : memref<!tpu.dma_semaphore, #tpu.memory_space<semaphore_mem>>)
      %dma_wait3A = arith.constant 0 : i32
      %dma_wait3A_95 = arith.constant 0 : i32
      %dma_wait3A_96 = tpu.memref_slice %arg10[%dma_wait3A, %dma_wait3A_95] : memref<128x128xf32, #tpu.memory_space<vmem>> -> memref<128x128xf32, #tpu.memory_space<vmem>>
      %dma_wait3A_97 = arith.constant 0 : i32
      %dma_wait3A_98 = tpu.memref_slice %arg13[%add3A_14, %dma_wait3A_97] : memref<10112x128xf32, #tpu.memory_space<vmem_shared>> -> memref<128x128xf32, #tpu.memory_space<vmem_shared>>
      %dma_wait3A_99 = arith.constant 0 : i32
      %dma_wait3A_100 = tpu.memref_slice %arg13[%add3A_14, %dma_wait3A_99] : memref<10112x128xf32, #tpu.memory_space<vmem_shared>> -> memref<128x128xf32, #tpu.memory_space<vmem_shared>>
      %dma_wait3A_101 = arith.constant 0 : i32
      %dma_wait3A_102 = arith.constant 0 : i32
      %dma_wait3A_103 = tpu.memref_slice %arg10[%dma_wait3A_101, %dma_wait3A_102] : memref<128x128xf32, #tpu.memory_space<vmem>> -> memref<128x128xf32, #tpu.memory_space<vmem>>
      tpu.wait_dma2 semaphore(%run_scoped3A : memref<!tpu.dma_semaphore, #tpu.memory_space<semaphore_mem>>) src(%dma_wait3A_103 : memref<128x128xf32, #tpu.memory_space<vmem>>) dst(%dma_wait3A_100 : memref<128x128xf32, #tpu.memory_space<vmem_shared>>)
      tpu.yield
    }) : () -> ()
    %mul3A_15 = arith.constant 632 : i32
    %mul3A_16 = arith.muli %arg1, %mul3A_15 : i32
    %add3A_17 = arith.constant 128 : i32
    %add3A_18 = arith.addi %mul3A_16, %add3A_17 : i32
    "tpu.region"() ({
      %run_scoped3A = tpu.sem_alloc : memref<!tpu.dma_semaphore, #tpu.memory_space<semaphore_mem>>
      %dma_start3A = arith.constant 0 : i32
      %dma_start3A_86 = arith.constant 0 : i32
      %dma_start3A_87 = tpu.memref_slice %arg10[%dma_start3A, %dma_start3A_86] : memref<128x128xf32, #tpu.memory_space<vmem>> -> memref<128x128xf32, #tpu.memory_space<vmem>>
      %dma_start3A_88 = arith.constant 0 : i32
      %dma_start3A_89 = tpu.memref_slice %arg13[%add3A_18, %dma_start3A_88] : memref<10112x128xf32, #tpu.memory_space<vmem_shared>> -> memref<128x128xf32, #tpu.memory_space<vmem_shared>>
      %dma_start3A_90 = arith.constant 0 : i32
      %dma_start3A_91 = tpu.memref_slice %arg13[%add3A_18, %dma_start3A_90] : memref<10112x128xf32, #tpu.memory_space<vmem_shared>> -> memref<128x128xf32, #tpu.memory_space<vmem_shared>>
      %dma_start3A_92 = arith.constant 0 : i32
      %dma_start3A_93 = arith.constant 0 : i32
      %dma_start3A_94 = tpu.memref_slice %arg10[%dma_start3A_92, %dma_start3A_93] : memref<128x128xf32, #tpu.memory_space<vmem>> -> memref<128x128xf32, #tpu.memory_space<vmem>>
      tpu.enqueue_dma source(%dma_start3A_94 : memref<128x128xf32, #tpu.memory_space<vmem>>) target(%dma_start3A_91 : memref<128x128xf32, #tpu.memory_space<vmem_shared>>) target_semaphore(%run_scoped3A : memref<!tpu.dma_semaphore, #tpu.memory_space<semaphore_mem>>)
      %dma_wait3A = arith.constant 0 : i32
      %dma_wait3A_95 = arith.constant 0 : i32
      %dma_wait3A_96 = tpu.memref_slice %arg10[%dma_wait3A, %dma_wait3A_95] : memref<128x128xf32, #tpu.memory_space<vmem>> -> memref<128x128xf32, #tpu.memory_space<vmem>>
      %dma_wait3A_97 = arith.constant 0 : i32
      %dma_wait3A_98 = tpu.memref_slice %arg13[%add3A_18, %dma_wait3A_97] : memref<10112x128xf32, #tpu.memory_space<vmem_shared>> -> memref<128x128xf32, #tpu.memory_space<vmem_shared>>
      %dma_wait3A_99 = arith.constant 0 : i32
      %dma_wait3A_100 = tpu.memref_slice %arg13[%add3A_18, %dma_wait3A_99] : memref<10112x128xf32, #tpu.memory_space<vmem_shared>> -> memref<128x128xf32, #tpu.memory_space<vmem_shared>>
      %dma_wait3A_101 = arith.constant 0 : i32
      %dma_wait3A_102 = arith.constant 0 : i32
      %dma_wait3A_103 = tpu.memref_slice %arg10[%dma_wait3A_101, %dma_wait3A_102] : memref<128x128xf32, #tpu.memory_space<vmem>> -> memref<128x128xf32, #tpu.memory_space<vmem>>
      tpu.wait_dma2 semaphore(%run_scoped3A : memref<!tpu.dma_semaphore, #tpu.memory_space<semaphore_mem>>) src(%dma_wait3A_103 : memref<128x128xf32, #tpu.memory_space<vmem>>) dst(%dma_wait3A_100 : memref<128x128xf32, #tpu.memory_space<vmem_shared>>)
      tpu.yield
    }) : () -> ()
    %mul3A_19 = arith.constant 632 : i32
    %mul3A_20 = arith.muli %arg1, %mul3A_19 : i32
    %add3A_21 = arith.constant 256 : i32
    %add3A_22 = arith.addi %mul3A_20, %add3A_21 : i32
    "tpu.region"() ({
      %run_scoped3A = tpu.sem_alloc : memref<!tpu.dma_semaphore, #tpu.memory_space<semaphore_mem>>
      %dma_start3A = arith.constant 0 : i32
      %dma_start3A_86 = arith.constant 0 : i32
      %dma_start3A_87 = tpu.memref_slice %arg10[%dma_start3A, %dma_start3A_86] : memref<128x128xf32, #tpu.memory_space<vmem>> -> memref<128x128xf32, #tpu.memory_space<vmem>>
      %dma_start3A_88 = arith.constant 0 : i32
      %dma_start3A_89 = tpu.memref_slice %arg13[%add3A_22, %dma_start3A_88] : memref<10112x128xf32, #tpu.memory_space<vmem_shared>> -> memref<128x128xf32, #tpu.memory_space<vmem_shared>>
      %dma_start3A_90 = arith.constant 0 : i32
      %dma_start3A_91 = tpu.memref_slice %arg13[%add3A_22, %dma_start3A_90] : memref<10112x128xf32, #tpu.memory_space<vmem_shared>> -> memref<128x128xf32, #tpu.memory_space<vmem_shared>>
      %dma_start3A_92 = arith.constant 0 : i32
      %dma_start3A_93 = arith.constant 0 : i32
      %dma_start3A_94 = tpu.memref_slice %arg10[%dma_start3A_92, %dma_start3A_93] : memref<128x128xf32, #tpu.memory_space<vmem>> -> memref<128x128xf32, #tpu.memory_space<vmem>>
      tpu.enqueue_dma source(%dma_start3A_94 : memref<128x128xf32, #tpu.memory_space<vmem>>) target(%dma_start3A_91 : memref<128x128xf32, #tpu.memory_space<vmem_shared>>) target_semaphore(%run_scoped3A : memref<!tpu.dma_semaphore, #tpu.memory_space<semaphore_mem>>)
      %dma_wait3A = arith.constant 0 : i32
      %dma_wait3A_95 = arith.constant 0 : i32
      %dma_wait3A_96 = tpu.memref_slice %arg10[%dma_wait3A, %dma_wait3A_95] : memref<128x128xf32, #tpu.memory_space<vmem>> -> memref<128x128xf32, #tpu.memory_space<vmem>>
      %dma_wait3A_97 = arith.constant 0 : i32
      %dma_wait3A_98 = tpu.memref_slice %arg13[%add3A_22, %dma_wait3A_97] : memref<10112x128xf32, #tpu.memory_space<vmem_shared>> -> memref<128x128xf32, #tpu.memory_space<vmem_shared>>
      %dma_wait3A_99 = arith.constant 0 : i32
      %dma_wait3A_100 = tpu.memref_slice %arg13[%add3A_22, %dma_wait3A_99] : memref<10112x128xf32, #tpu.memory_space<vmem_shared>> -> memref<128x128xf32, #tpu.memory_space<vmem_shared>>
      %dma_wait3A_101 = arith.constant 0 : i32
      %dma_wait3A_102 = arith.constant 0 : i32
      %dma_wait3A_103 = tpu.memref_slice %arg10[%dma_wait3A_101, %dma_wait3A_102] : memref<128x128xf32, #tpu.memory_space<vmem>> -> memref<128x128xf32, #tpu.memory_space<vmem>>
      tpu.wait_dma2 semaphore(%run_scoped3A : memref<!tpu.dma_semaphore, #tpu.memory_space<semaphore_mem>>) src(%dma_wait3A_103 : memref<128x128xf32, #tpu.memory_space<vmem>>) dst(%dma_wait3A_100 : memref<128x128xf32, #tpu.memory_space<vmem_shared>>)
      tpu.yield
    }) : () -> ()
    %mul3A_23 = arith.constant 632 : i32
    %mul3A_24 = arith.muli %arg1, %mul3A_23 : i32
    %add3A_25 = arith.constant 384 : i32
    %add3A_26 = arith.addi %mul3A_24, %add3A_25 : i32
    "tpu.region"() ({
      %run_scoped3A = tpu.sem_alloc : memref<!tpu.dma_semaphore, #tpu.memory_space<semaphore_mem>>
      %dma_start3A = arith.constant 0 : i32
      %dma_start3A_86 = arith.constant 0 : i32
      %dma_start3A_87 = tpu.memref_slice %arg10[%dma_start3A, %dma_start3A_86] : memref<128x128xf32, #tpu.memory_space<vmem>> -> memref<128x128xf32, #tpu.memory_space<vmem>>
      %dma_start3A_88 = arith.constant 0 : i32
      %dma_start3A_89 = tpu.memref_slice %arg13[%add3A_26, %dma_start3A_88] : memref<10112x128xf32, #tpu.memory_space<vmem_shared>> -> memref<128x128xf32, #tpu.memory_space<vmem_shared>>
      %dma_start3A_90 = arith.constant 0 : i32
      %dma_start3A_91 = tpu.memref_slice %arg13[%add3A_26, %dma_start3A_90] : memref<10112x128xf32, #tpu.memory_space<vmem_shared>> -> memref<128x128xf32, #tpu.memory_space<vmem_shared>>
      %dma_start3A_92 = arith.constant 0 : i32
      %dma_start3A_93 = arith.constant 0 : i32
      %dma_start3A_94 = tpu.memref_slice %arg10[%dma_start3A_92, %dma_start3A_93] : memref<128x128xf32, #tpu.memory_space<vmem>> -> memref<128x128xf32, #tpu.memory_space<vmem>>
      tpu.enqueue_dma source(%dma_start3A_94 : memref<128x128xf32, #tpu.memory_space<vmem>>) target(%dma_start3A_91 : memref<128x128xf32, #tpu.memory_space<vmem_shared>>) target_semaphore(%run_scoped3A : memref<!tpu.dma_semaphore, #tpu.memory_space<semaphore_mem>>)
      %dma_wait3A = arith.constant 0 : i32
      %dma_wait3A_95 = arith.constant 0 : i32
      %dma_wait3A_96 = tpu.memref_slice %arg10[%dma_wait3A, %dma_wait3A_95] : memref<128x128xf32, #tpu.memory_space<vmem>> -> memref<128x128xf32, #tpu.memory_space<vmem>>
      %dma_wait3A_97 = arith.constant 0 : i32
      %dma_wait3A_98 = tpu.memref_slice %arg13[%add3A_26, %dma_wait3A_97] : memref<10112x128xf32, #tpu.memory_space<vmem_shared>> -> memref<128x128xf32, #tpu.memory_space<vmem_shared>>
      %dma_wait3A_99 = arith.constant 0 : i32
      %dma_wait3A_100 = tpu.memref_slice %arg13[%add3A_26, %dma_wait3A_99] : memref<10112x128xf32, #tpu.memory_space<vmem_shared>> -> memref<128x128xf32, #tpu.memory_space<vmem_shared>>
      %dma_wait3A_101 = arith.constant 0 : i32
      %dma_wait3A_102 = arith.constant 0 : i32
      %dma_wait3A_103 = tpu.memref_slice %arg10[%dma_wait3A_101, %dma_wait3A_102] : memref<128x128xf32, #tpu.memory_space<vmem>> -> memref<128x128xf32, #tpu.memory_space<vmem>>
      tpu.wait_dma2 semaphore(%run_scoped3A : memref<!tpu.dma_semaphore, #tpu.memory_space<semaphore_mem>>) src(%dma_wait3A_103 : memref<128x128xf32, #tpu.memory_space<vmem>>) dst(%dma_wait3A_100 : memref<128x128xf32, #tpu.memory_space<vmem_shared>>)
      tpu.yield
    }) : () -> ()
    %mul3A_27 = arith.constant 632 : i32
    %mul3A_28 = arith.muli %arg1, %mul3A_27 : i32
    %add3A_29 = arith.constant 512 : i32
    %add3A_30 = arith.addi %mul3A_28, %add3A_29 : i32
    "tpu.region"() ({
      %run_scoped3A = tpu.sem_alloc : memref<!tpu.dma_semaphore, #tpu.memory_space<semaphore_mem>>
      %dma_start3A = arith.constant 0 : i32
      %dma_start3A_86 = arith.constant 0 : i32
      %dma_start3A_87 = tpu.memref_slice %arg10[%dma_start3A, %dma_start3A_86] : memref<128x128xf32, #tpu.memory_space<vmem>> -> memref<120x128xf32, #tpu.memory_space<vmem>>
      %dma_start3A_88 = arith.constant 0 : i32
      %dma_start3A_89 = tpu.memref_slice %arg13[%add3A_30, %dma_start3A_88] : memref<10112x128xf32, #tpu.memory_space<vmem_shared>> -> memref<120x128xf32, #tpu.memory_space<vmem_shared>>
      %dma_start3A_90 = arith.constant 0 : i32
      %dma_start3A_91 = tpu.memref_slice %arg13[%add3A_30, %dma_start3A_90] : memref<10112x128xf32, #tpu.memory_space<vmem_shared>> -> memref<120x128xf32, #tpu.memory_space<vmem_shared>>
      %dma_start3A_92 = arith.constant 0 : i32
      %dma_start3A_93 = arith.constant 0 : i32
      %dma_start3A_94 = tpu.memref_slice %arg10[%dma_start3A_92, %dma_start3A_93] : memref<128x128xf32, #tpu.memory_space<vmem>> -> memref<120x128xf32, #tpu.memory_space<vmem>>
      tpu.enqueue_dma source(%dma_start3A_94 : memref<120x128xf32, #tpu.memory_space<vmem>>) target(%dma_start3A_91 : memref<120x128xf32, #tpu.memory_space<vmem_shared>>) target_semaphore(%run_scoped3A : memref<!tpu.dma_semaphore, #tpu.memory_space<semaphore_mem>>)
      %dma_wait3A = arith.constant 0 : i32
      %dma_wait3A_95 = arith.constant 0 : i32
      %dma_wait3A_96 = tpu.memref_slice %arg10[%dma_wait3A, %dma_wait3A_95] : memref<128x128xf32, #tpu.memory_space<vmem>> -> memref<120x128xf32, #tpu.memory_space<vmem>>
      %dma_wait3A_97 = arith.constant 0 : i32
      %dma_wait3A_98 = tpu.memref_slice %arg13[%add3A_30, %dma_wait3A_97] : memref<10112x128xf32, #tpu.memory_space<vmem_shared>> -> memref<120x128xf32, #tpu.memory_space<vmem_shared>>
      %dma_wait3A_99 = arith.constant 0 : i32
      %dma_wait3A_100 = tpu.memref_slice %arg13[%add3A_30, %dma_wait3A_99] : memref<10112x128xf32, #tpu.memory_space<vmem_shared>> -> memref<120x128xf32, #tpu.memory_space<vmem_shared>>
      %dma_wait3A_101 = arith.constant 0 : i32
      %dma_wait3A_102 = arith.constant 0 : i32
      %dma_wait3A_103 = tpu.memref_slice %arg10[%dma_wait3A_101, %dma_wait3A_102] : memref<128x128xf32, #tpu.memory_space<vmem>> -> memref<120x128xf32, #tpu.memory_space<vmem>>
      tpu.wait_dma2 semaphore(%run_scoped3A : memref<!tpu.dma_semaphore, #tpu.memory_space<semaphore_mem>>) src(%dma_wait3A_103 : memref<120x128xf32, #tpu.memory_space<vmem>>) dst(%dma_wait3A_100 : memref<120x128xf32, #tpu.memory_space<vmem_shared>>)
      tpu.yield
    }) : () -> ()
    %mul3A_31 = arith.constant 632 : i32
    %mul3A_32 = arith.muli %arg1, %mul3A_31 : i32
    "tpu.region"() ({
      %run_scoped3A = tpu.sem_alloc : memref<!tpu.dma_semaphore, #tpu.memory_space<semaphore_mem>>
      %dma_start3A = arith.constant 0 : i32
      %dma_start3A_86 = tpu.memref_slice %arg12[%dma_start3A] : memref<640xf32, #tpu.memory_space<vmem>> -> memref<632xf32, #tpu.memory_space<vmem>>
      %dma_start3A_87 = tpu.memref_slice %arg14[%mul3A_32] : memref<10112xf32, #tpu.memory_space<vmem_shared>> -> memref<632xf32, #tpu.memory_space<vmem_shared>>
      %dma_start3A_88 = tpu.memref_slice %arg14[%mul3A_32] : memref<10112xf32, #tpu.memory_space<vmem_shared>> -> memref<632xf32, #tpu.memory_space<vmem_shared>>
      %dma_start3A_89 = arith.constant 0 : i32
      %dma_start3A_90 = tpu.memref_slice %arg12[%dma_start3A_89] : memref<640xf32, #tpu.memory_space<vmem>> -> memref<632xf32, #tpu.memory_space<vmem>>
      tpu.enqueue_dma source(%dma_start3A_90 : memref<632xf32, #tpu.memory_space<vmem>>) target(%dma_start3A_88 : memref<632xf32, #tpu.memory_space<vmem_shared>>) target_semaphore(%run_scoped3A : memref<!tpu.dma_semaphore, #tpu.memory_space<semaphore_mem>>)
      %dma_wait3A = arith.constant 0 : i32
      %dma_wait3A_91 = tpu.memref_slice %arg12[%dma_wait3A] : memref<640xf32, #tpu.memory_space<vmem>> -> memref<632xf32, #tpu.memory_space<vmem>>
      %dma_wait3A_92 = tpu.memref_slice %arg14[%mul3A_32] : memref<10112xf32, #tpu.memory_space<vmem_shared>> -> memref<632xf32, #tpu.memory_space<vmem_shared>>
      %dma_wait3A_93 = tpu.memref_slice %arg14[%mul3A_32] : memref<10112xf32, #tpu.memory_space<vmem_shared>> -> memref<632xf32, #tpu.memory_space<vmem_shared>>
      %dma_wait3A_94 = arith.constant 0 : i32
      %dma_wait3A_95 = tpu.memref_slice %arg12[%dma_wait3A_94] : memref<640xf32, #tpu.memory_space<vmem>> -> memref<632xf32, #tpu.memory_space<vmem>>
      tpu.wait_dma2 semaphore(%run_scoped3A : memref<!tpu.dma_semaphore, #tpu.memory_space<semaphore_mem>>) src(%dma_wait3A_95 : memref<632xf32, #tpu.memory_space<vmem>>) dst(%dma_wait3A_93 : memref<632xf32, #tpu.memory_space<vmem_shared>>)
      tpu.yield
    }) : () -> ()
    %barrier3A = arith.constant 0 : index
    tpu.barrier barrier_id(%barrier3A)
    "tpu.region"() ({
      %run_scoped3A = tpu.sem_alloc : memref<!tpu.dma_semaphore, #tpu.memory_space<semaphore_mem>>
      %dma_start3A = arith.constant 0 : i32
      %dma_start3A_86 = arith.constant 0 : i32
      %dma_start3A_87 = tpu.memref_slice %arg4[%add3A, %dma_start3A, %dma_start3A_86] : memref<32x80x128xi32, #tpu.memory_space<hbm>> -> memref<1x80x128xi32, #tpu.memory_space<hbm>>
      %dma_start3A_88 = tpu.memref_squeeze %dma_start3A_87 : memref<1x80x128xi32, #tpu.memory_space<hbm>> -> memref<80x128xi32, #tpu.memory_space<hbm>>
      %dma_start3A_89 = arith.constant 0 : i32
      %dma_start3A_90 = arith.constant 0 : i32
      %dma_start3A_91 = tpu.memref_slice %arg4[%add3A, %dma_start3A_89, %dma_start3A_90] : memref<32x80x128xi32, #tpu.memory_space<hbm>> -> memref<1x80x128xi32, #tpu.memory_space<hbm>>
      %dma_start3A_92 = tpu.memref_squeeze %dma_start3A_91 : memref<1x80x128xi32, #tpu.memory_space<hbm>> -> memref<80x128xi32, #tpu.memory_space<hbm>>
      tpu.enqueue_dma source(%dma_start3A_92 : memref<80x128xi32, #tpu.memory_space<hbm>>) target(%arg8 : memref<80x128xi32, #tpu.memory_space<vmem>>) target_semaphore(%run_scoped3A : memref<!tpu.dma_semaphore, #tpu.memory_space<semaphore_mem>>)
      %dma_wait3A = arith.constant 0 : i32
      %dma_wait3A_93 = arith.constant 0 : i32
      %dma_wait3A_94 = tpu.memref_slice %arg4[%add3A, %dma_wait3A, %dma_wait3A_93] : memref<32x80x128xi32, #tpu.memory_space<hbm>> -> memref<1x80x128xi32, #tpu.memory_space<hbm>>
      %dma_wait3A_95 = tpu.memref_squeeze %dma_wait3A_94 : memref<1x80x128xi32, #tpu.memory_space<hbm>> -> memref<80x128xi32, #tpu.memory_space<hbm>>
      %dma_wait3A_96 = arith.constant 0 : i32
      %dma_wait3A_97 = arith.constant 0 : i32
      %dma_wait3A_98 = tpu.memref_slice %arg4[%add3A, %dma_wait3A_96, %dma_wait3A_97] : memref<32x80x128xi32, #tpu.memory_space<hbm>> -> memref<1x80x128xi32, #tpu.memory_space<hbm>>
      %dma_wait3A_99 = tpu.memref_squeeze %dma_wait3A_98 : memref<1x80x128xi32, #tpu.memory_space<hbm>> -> memref<80x128xi32, #tpu.memory_space<hbm>>
      tpu.wait_dma2 semaphore(%run_scoped3A : memref<!tpu.dma_semaphore, #tpu.memory_space<semaphore_mem>>) src(%dma_wait3A_99 : memref<80x128xi32, #tpu.memory_space<hbm>>) dst(%arg8 : memref<80x128xi32, #tpu.memory_space<vmem>>)
      tpu.yield
    }) : () -> ()
    "tpu.region"() ({
      %run_scoped3A = tpu.sem_alloc : memref<!tpu.dma_semaphore, #tpu.memory_space<semaphore_mem>>
      %dma_start3A = arith.constant 0 : i32
      %dma_start3A_86 = arith.constant 0 : i32
      %dma_start3A_87 = tpu.memref_slice %arg5[%add3A, %dma_start3A, %dma_start3A_86] : memref<32x80x128xi32, #tpu.memory_space<hbm>> -> memref<1x80x128xi32, #tpu.memory_space<hbm>>
      %dma_start3A_88 = tpu.memref_squeeze %dma_start3A_87 : memref<1x80x128xi32, #tpu.memory_space<hbm>> -> memref<80x128xi32, #tpu.memory_space<hbm>>
      %dma_start3A_89 = arith.constant 0 : i32
      %dma_start3A_90 = arith.constant 0 : i32
      %dma_start3A_91 = tpu.memref_slice %arg5[%add3A, %dma_start3A_89, %dma_start3A_90] : memref<32x80x128xi32, #tpu.memory_space<hbm>> -> memref<1x80x128xi32, #tpu.memory_space<hbm>>
      %dma_start3A_92 = tpu.memref_squeeze %dma_start3A_91 : memref<1x80x128xi32, #tpu.memory_space<hbm>> -> memref<80x128xi32, #tpu.memory_space<hbm>>
      tpu.enqueue_dma source(%dma_start3A_92 : memref<80x128xi32, #tpu.memory_space<hbm>>) target(%arg9 : memref<80x128xi32, #tpu.memory_space<vmem>>) target_semaphore(%run_scoped3A : memref<!tpu.dma_semaphore, #tpu.memory_space<semaphore_mem>>)
      %dma_wait3A = arith.constant 0 : i32
      %dma_wait3A_93 = arith.constant 0 : i32
      %dma_wait3A_94 = tpu.memref_slice %arg5[%add3A, %dma_wait3A, %dma_wait3A_93] : memref<32x80x128xi32, #tpu.memory_space<hbm>> -> memref<1x80x128xi32, #tpu.memory_space<hbm>>
      %dma_wait3A_95 = tpu.memref_squeeze %dma_wait3A_94 : memref<1x80x128xi32, #tpu.memory_space<hbm>> -> memref<80x128xi32, #tpu.memory_space<hbm>>
      %dma_wait3A_96 = arith.constant 0 : i32
      %dma_wait3A_97 = arith.constant 0 : i32
      %dma_wait3A_98 = tpu.memref_slice %arg5[%add3A, %dma_wait3A_96, %dma_wait3A_97] : memref<32x80x128xi32, #tpu.memory_space<hbm>> -> memref<1x80x128xi32, #tpu.memory_space<hbm>>
      %dma_wait3A_99 = tpu.memref_squeeze %dma_wait3A_98 : memref<1x80x128xi32, #tpu.memory_space<hbm>> -> memref<80x128xi32, #tpu.memory_space<hbm>>
      tpu.wait_dma2 semaphore(%run_scoped3A : memref<!tpu.dma_semaphore, #tpu.memory_space<semaphore_mem>>) src(%dma_wait3A_99 : memref<80x128xi32, #tpu.memory_space<hbm>>) dst(%arg9 : memref<80x128xi32, #tpu.memory_space<vmem>>)
      tpu.yield
    }) : () -> ()
    %scan3A_33 = arith.constant 0 : i32
    %scan3A_34 = arith.constant 80 : i32
    %scan3A_35 = arith.addi %scan3A_33, %scan3A_34 : i32
    %scan3A_36 = arith.constant 1 : i32
    scf.for %scan3A_86 = %scan3A_33 to %scan3A_35 step %scan3A_36  : i32 {
      %mul3A_87 = arith.constant 1 : i32
      %mul3A_88 = arith.muli %scan3A_86, %mul3A_87 : i32
      %add3A_89 = arith.constant 0 : i32
      %add3A_90 = arith.addi %add3A_89, %mul3A_88 : i32
      %dma_start3A = arith.constant 0 : i32
      %dma_start3A_91 = tpu.memref_slice %arg8[%add3A_90, %dma_start3A] : memref<80x128xi32, #tpu.memory_space<vmem>> -> memref<1x128xi32, #tpu.memory_space<vmem>>
      %dma_start3A_92 = tpu.memref_squeeze %dma_start3A_91 : memref<1x128xi32, #tpu.memory_space<vmem>> -> memref<128xi32, #tpu.memory_space<vmem>>
      %dma_start3A_93 = arith.constant 0 : i32
      %dma_start3A_94 = arith.constant 0 : i32
      %dma_start3A_95 = tpu.memref_slice %arg2[%dma_start3A_93, %dma_start3A_94] : memref<10112x128xf32, #tpu.memory_space<hbm>> -> memref<10112x128xf32, #tpu.memory_space<hbm>>
      tpu.enqueue_indirect_dma source(%dma_start3A_95 : memref<10112x128xf32, #tpu.memory_space<hbm>>) target(%arg10 : memref<128x128xf32, #tpu.memory_space<vmem>>) offsets(%dma_start3A_92 : memref<128xi32, #tpu.memory_space<vmem>>) semaphore(%arg15 : memref<!tpu.dma_semaphore, #tpu.memory_space<semaphore_mem>>)
      %dma_start3A_96 = arith.constant 0 : i32
      %dma_start3A_97 = tpu.memref_slice %arg8[%add3A_90, %dma_start3A_96] : memref<80x128xi32, #tpu.memory_space<vmem>> -> memref<1x128xi32, #tpu.memory_space<vmem>>
      %dma_start3A_98 = tpu.memref_squeeze %dma_start3A_97 : memref<1x128xi32, #tpu.memory_space<vmem>> -> memref<128xi32, #tpu.memory_space<vmem>>
      %dma_start3A_99 = arith.constant 0 : i32
      %dma_start3A_100 = tpu.memref_slice %arg3[%dma_start3A_99] : memref<10112xf32, #tpu.memory_space<hbm>> -> memref<10112xf32, #tpu.memory_space<hbm>>
      tpu.enqueue_indirect_dma source(%dma_start3A_100 : memref<10112xf32, #tpu.memory_space<hbm>>) target(%arg11 : memref<128xf32, #tpu.memory_space<vmem>>) offsets(%dma_start3A_98 : memref<128xi32, #tpu.memory_space<vmem>>) semaphore(%arg16 : memref<!tpu.dma_semaphore, #tpu.memory_space<semaphore_mem>>)
      %dma_wait3A = arith.constant 0 : i32
      %dma_wait3A_101 = tpu.memref_slice %arg8[%add3A_90, %dma_wait3A] : memref<80x128xi32, #tpu.memory_space<vmem>> -> memref<1x128xi32, #tpu.memory_space<vmem>>
      %dma_wait3A_102 = tpu.memref_squeeze %dma_wait3A_101 : memref<1x128xi32, #tpu.memory_space<vmem>> -> memref<128xi32, #tpu.memory_space<vmem>>
      %dma_wait3A_103 = arith.constant 0 : i32
      %dma_wait3A_104 = arith.constant 0 : i32
      %dma_wait3A_105 = tpu.memref_slice %arg2[%dma_wait3A_103, %dma_wait3A_104] : memref<10112x128xf32, #tpu.memory_space<hbm>> -> memref<10112x128xf32, #tpu.memory_space<hbm>>
      tpu.wait_indirect_dma semaphore(%arg15 : memref<!tpu.dma_semaphore, #tpu.memory_space<semaphore_mem>>) src(%dma_wait3A_105 : memref<10112x128xf32, #tpu.memory_space<hbm>>) dst(%arg10 : memref<128x128xf32, #tpu.memory_space<vmem>>)
      %dma_wait3A_106 = arith.constant 0 : i32
      %dma_wait3A_107 = tpu.memref_slice %arg8[%add3A_90, %dma_wait3A_106] : memref<80x128xi32, #tpu.memory_space<vmem>> -> memref<1x128xi32, #tpu.memory_space<vmem>>
      %dma_wait3A_108 = tpu.memref_squeeze %dma_wait3A_107 : memref<1x128xi32, #tpu.memory_space<vmem>> -> memref<128xi32, #tpu.memory_space<vmem>>
      %dma_wait3A_109 = arith.constant 0 : i32
      %dma_wait3A_110 = tpu.memref_slice %arg3[%dma_wait3A_109] : memref<10112xf32, #tpu.memory_space<hbm>> -> memref<10112xf32, #tpu.memory_space<hbm>>
      tpu.wait_indirect_dma semaphore(%arg16 : memref<!tpu.dma_semaphore, #tpu.memory_space<semaphore_mem>>) src(%dma_wait3A_110 : memref<10112xf32, #tpu.memory_space<hbm>>) dst(%arg11 : memref<128xf32, #tpu.memory_space<vmem>>)
      "tpu.region"() ({
        %run_scoped3A = tpu.sem_alloc : memref<!tpu.dma_semaphore, #tpu.memory_space<semaphore_mem>>
        %dma_start3A_111 = arith.constant 0 : i32
        %dma_start3A_112 = tpu.memref_slice %arg9[%add3A_90, %dma_start3A_111] : memref<80x128xi32, #tpu.memory_space<vmem>> -> memref<1x128xi32, #tpu.memory_space<vmem>>
        %dma_start3A_113 = tpu.memref_squeeze %dma_start3A_112 : memref<1x128xi32, #tpu.memory_space<vmem>> -> memref<128xi32, #tpu.memory_space<vmem>>
        %dma_start3A_114 = arith.constant 0 : i32
        %dma_start3A_115 = arith.constant 0 : i32
        %dma_start3A_116 = tpu.memref_slice %arg13[%dma_start3A_114, %dma_start3A_115] : memref<10112x128xf32, #tpu.memory_space<vmem_shared>> -> memref<10112x128xf32, #tpu.memory_space<vmem_shared>>
        tpu.enqueue_indirect_dma source(%arg10 : memref<128x128xf32, #tpu.memory_space<vmem>>) target(%dma_start3A_116 : memref<10112x128xf32, #tpu.memory_space<vmem_shared>>) offsets(%dma_start3A_113 : memref<128xi32, #tpu.memory_space<vmem>>) semaphore(%run_scoped3A : memref<!tpu.dma_semaphore, #tpu.memory_space<semaphore_mem>>) {add = true}
        %dma_wait3A_117 = arith.constant 0 : i32
        %dma_wait3A_118 = tpu.memref_slice %arg9[%add3A_90, %dma_wait3A_117] : memref<80x128xi32, #tpu.memory_space<vmem>> -> memref<1x128xi32, #tpu.memory_space<vmem>>
        %dma_wait3A_119 = tpu.memref_squeeze %dma_wait3A_118 : memref<1x128xi32, #tpu.memory_space<vmem>> -> memref<128xi32, #tpu.memory_space<vmem>>
        %dma_wait3A_120 = arith.constant 0 : i32
        %dma_wait3A_121 = arith.constant 0 : i32
        %dma_wait3A_122 = tpu.memref_slice %arg13[%dma_wait3A_120, %dma_wait3A_121] : memref<10112x128xf32, #tpu.memory_space<vmem_shared>> -> memref<10112x128xf32, #tpu.memory_space<vmem_shared>>
        tpu.wait_indirect_dma semaphore(%run_scoped3A : memref<!tpu.dma_semaphore, #tpu.memory_space<semaphore_mem>>) src(%arg10 : memref<128x128xf32, #tpu.memory_space<vmem>>) dst(%dma_wait3A_122 : memref<10112x128xf32, #tpu.memory_space<vmem_shared>>)
        tpu.yield
      }) : () -> ()
      "tpu.region"() ({
        %run_scoped3A = tpu.sem_alloc : memref<!tpu.dma_semaphore, #tpu.memory_space<semaphore_mem>>
        %dma_start3A_111 = arith.constant 0 : i32
        %dma_start3A_112 = tpu.memref_slice %arg9[%add3A_90, %dma_start3A_111] : memref<80x128xi32, #tpu.memory_space<vmem>> -> memref<1x128xi32, #tpu.memory_space<vmem>>
        %dma_start3A_113 = tpu.memref_squeeze %dma_start3A_112 : memref<1x128xi32, #tpu.memory_space<vmem>> -> memref<128xi32, #tpu.memory_space<vmem>>
        %dma_start3A_114 = arith.constant 0 : i32
        %dma_start3A_115 = tpu.memref_slice %arg14[%dma_start3A_114] : memref<10112xf32, #tpu.memory_space<vmem_shared>> -> memref<10112xf32, #tpu.memory_space<vmem_shared>>
        tpu.enqueue_indirect_dma source(%arg11 : memref<128xf32, #tpu.memory_space<vmem>>) target(%dma_start3A_115 : memref<10112xf32, #tpu.memory_space<vmem_shared>>) offsets(%dma_start3A_113 : memref<128xi32, #tpu.memory_space<vmem>>) semaphore(%run_scoped3A : memref<!tpu.dma_semaphore, #tpu.memory_space<semaphore_mem>>) {add = true}
        %dma_wait3A_116 = arith.constant 0 : i32
        %dma_wait3A_117 = tpu.memref_slice %arg9[%add3A_90, %dma_wait3A_116] : memref<80x128xi32, #tpu.memory_space<vmem>> -> memref<1x128xi32, #tpu.memory_space<vmem>>
        %dma_wait3A_118 = tpu.memref_squeeze %dma_wait3A_117 : memref<1x128xi32, #tpu.memory_space<vmem>> -> memref<128xi32, #tpu.memory_space<vmem>>
        %dma_wait3A_119 = arith.constant 0 : i32
        %dma_wait3A_120 = tpu.memref_slice %arg14[%dma_wait3A_119] : memref<10112xf32, #tpu.memory_space<vmem_shared>> -> memref<10112xf32, #tpu.memory_space<vmem_shared>>
        tpu.wait_indirect_dma semaphore(%run_scoped3A : memref<!tpu.dma_semaphore, #tpu.memory_space<semaphore_mem>>) src(%arg11 : memref<128xf32, #tpu.memory_space<vmem>>) dst(%dma_wait3A_120 : memref<10112xf32, #tpu.memory_space<vmem_shared>>)
        tpu.yield
      }) : () -> ()
    }
    %scan3A_37 = arith.constant 80 : i32
    %barrier3A_38 = arith.constant 0 : index
    tpu.barrier barrier_id(%barrier3A_38)
    %mul3A_39 = arith.constant 632 : i32
    %mul3A_40 = arith.muli %arg1, %mul3A_39 : i32
    %add3A_41 = arith.constant 0 : i32
    %add3A_42 = arith.addi %mul3A_40, %add3A_41 : i32
    "tpu.region"() ({
      %run_scoped3A = tpu.sem_alloc : memref<!tpu.dma_semaphore, #tpu.memory_space<semaphore_mem>>
      %dma_start3A = arith.constant 0 : i32
      %dma_start3A_86 = arith.constant 0 : i32
      %dma_start3A_87 = tpu.memref_slice %arg10[%dma_start3A, %dma_start3A_86] : memref<128x128xf32, #tpu.memory_space<vmem>> -> memref<128x128xf32, #tpu.memory_space<vmem>>
      %dma_start3A_88 = arith.constant 0 : i32
      %dma_start3A_89 = tpu.memref_slice %arg13[%add3A_42, %dma_start3A_88] : memref<10112x128xf32, #tpu.memory_space<vmem_shared>> -> memref<128x128xf32, #tpu.memory_space<vmem_shared>>
      %dma_start3A_90 = arith.constant 0 : i32
      %dma_start3A_91 = arith.constant 0 : i32
      %dma_start3A_92 = tpu.memref_slice %arg10[%dma_start3A_90, %dma_start3A_91] : memref<128x128xf32, #tpu.memory_space<vmem>> -> memref<128x128xf32, #tpu.memory_space<vmem>>
      %dma_start3A_93 = arith.constant 0 : i32
      %dma_start3A_94 = tpu.memref_slice %arg13[%add3A_42, %dma_start3A_93] : memref<10112x128xf32, #tpu.memory_space<vmem_shared>> -> memref<128x128xf32, #tpu.memory_space<vmem_shared>>
      tpu.enqueue_dma source(%dma_start3A_94 : memref<128x128xf32, #tpu.memory_space<vmem_shared>>) target(%dma_start3A_92 : memref<128x128xf32, #tpu.memory_space<vmem>>) target_semaphore(%run_scoped3A : memref<!tpu.dma_semaphore, #tpu.memory_space<semaphore_mem>>)
      %dma_wait3A = arith.constant 0 : i32
      %dma_wait3A_95 = arith.constant 0 : i32
      %dma_wait3A_96 = tpu.memref_slice %arg10[%dma_wait3A, %dma_wait3A_95] : memref<128x128xf32, #tpu.memory_space<vmem>> -> memref<128x128xf32, #tpu.memory_space<vmem>>
      %dma_wait3A_97 = arith.constant 0 : i32
      %dma_wait3A_98 = tpu.memref_slice %arg13[%add3A_42, %dma_wait3A_97] : memref<10112x128xf32, #tpu.memory_space<vmem_shared>> -> memref<128x128xf32, #tpu.memory_space<vmem_shared>>
      %dma_wait3A_99 = arith.constant 0 : i32
      %dma_wait3A_100 = arith.constant 0 : i32
      %dma_wait3A_101 = tpu.memref_slice %arg10[%dma_wait3A_99, %dma_wait3A_100] : memref<128x128xf32, #tpu.memory_space<vmem>> -> memref<128x128xf32, #tpu.memory_space<vmem>>
      %dma_wait3A_102 = arith.constant 0 : i32
      %dma_wait3A_103 = tpu.memref_slice %arg13[%add3A_42, %dma_wait3A_102] : memref<10112x128xf32, #tpu.memory_space<vmem_shared>> -> memref<128x128xf32, #tpu.memory_space<vmem_shared>>
      tpu.wait_dma2 semaphore(%run_scoped3A : memref<!tpu.dma_semaphore, #tpu.memory_space<semaphore_mem>>) src(%dma_wait3A_103 : memref<128x128xf32, #tpu.memory_space<vmem_shared>>) dst(%dma_wait3A_101 : memref<128x128xf32, #tpu.memory_space<vmem>>)
      tpu.yield
    }) : () -> ()
    %mul3A_43 = arith.constant 632 : i32
    %mul3A_44 = arith.muli %arg1, %mul3A_43 : i32
    %add3A_45 = arith.constant 0 : i32
    %add3A_46 = arith.addi %mul3A_44, %add3A_45 : i32
    "tpu.region"() ({
      %run_scoped3A = tpu.sem_alloc : memref<!tpu.dma_semaphore, #tpu.memory_space<semaphore_mem>>
      %dma_start3A = arith.constant 0 : i32
      %dma_start3A_86 = arith.constant 0 : i32
      %dma_start3A_87 = tpu.memref_slice %arg10[%dma_start3A, %dma_start3A_86] : memref<128x128xf32, #tpu.memory_space<vmem>> -> memref<128x128xf32, #tpu.memory_space<vmem>>
      %dma_start3A_88 = arith.constant 0 : i32
      %dma_start3A_89 = tpu.memref_slice %arg6[%arg0, %add3A_46, %dma_start3A_88] : memref<2x10112x128xf32, #tpu.memory_space<hbm>> -> memref<1x128x128xf32, #tpu.memory_space<hbm>>
      %dma_start3A_90 = tpu.memref_squeeze %dma_start3A_89 : memref<1x128x128xf32, #tpu.memory_space<hbm>> -> memref<128x128xf32, #tpu.memory_space<hbm>>
      %dma_start3A_91 = arith.constant 0 : i32
      %dma_start3A_92 = tpu.memref_slice %arg6[%arg0, %add3A_46, %dma_start3A_91] : memref<2x10112x128xf32, #tpu.memory_space<hbm>> -> memref<1x128x128xf32, #tpu.memory_space<hbm>>
      %dma_start3A_93 = tpu.memref_squeeze %dma_start3A_92 : memref<1x128x128xf32, #tpu.memory_space<hbm>> -> memref<128x128xf32, #tpu.memory_space<hbm>>
      %dma_start3A_94 = arith.constant 0 : i32
      %dma_start3A_95 = arith.constant 0 : i32
      %dma_start3A_96 = tpu.memref_slice %arg10[%dma_start3A_94, %dma_start3A_95] : memref<128x128xf32, #tpu.memory_space<vmem>> -> memref<128x128xf32, #tpu.memory_space<vmem>>
      tpu.enqueue_dma source(%dma_start3A_96 : memref<128x128xf32, #tpu.memory_space<vmem>>) target(%dma_start3A_93 : memref<128x128xf32, #tpu.memory_space<hbm>>) target_semaphore(%run_scoped3A : memref<!tpu.dma_semaphore, #tpu.memory_space<semaphore_mem>>)
      %dma_wait3A = arith.constant 0 : i32
      %dma_wait3A_97 = arith.constant 0 : i32
      %dma_wait3A_98 = tpu.memref_slice %arg10[%dma_wait3A, %dma_wait3A_97] : memref<128x128xf32, #tpu.memory_space<vmem>> -> memref<128x128xf32, #tpu.memory_space<vmem>>
      %dma_wait3A_99 = arith.constant 0 : i32
      %dma_wait3A_100 = tpu.memref_slice %arg6[%arg0, %add3A_46, %dma_wait3A_99] : memref<2x10112x128xf32, #tpu.memory_space<hbm>> -> memref<1x128x128xf32, #tpu.memory_space<hbm>>
      %dma_wait3A_101 = tpu.memref_squeeze %dma_wait3A_100 : memref<1x128x128xf32, #tpu.memory_space<hbm>> -> memref<128x128xf32, #tpu.memory_space<hbm>>
      %dma_wait3A_102 = arith.constant 0 : i32
      %dma_wait3A_103 = tpu.memref_slice %arg6[%arg0, %add3A_46, %dma_wait3A_102] : memref<2x10112x128xf32, #tpu.memory_space<hbm>> -> memref<1x128x128xf32, #tpu.memory_space<hbm>>
      %dma_wait3A_104 = tpu.memref_squeeze %dma_wait3A_103 : memref<1x128x128xf32, #tpu.memory_space<hbm>> -> memref<128x128xf32, #tpu.memory_space<hbm>>
      %dma_wait3A_105 = arith.constant 0 : i32
      %dma_wait3A_106 = arith.constant 0 : i32
      %dma_wait3A_107 = tpu.memref_slice %arg10[%dma_wait3A_105, %dma_wait3A_106] : memref<128x128xf32, #tpu.memory_space<vmem>> -> memref<128x128xf32, #tpu.memory_space<vmem>>
      tpu.wait_dma2 semaphore(%run_scoped3A : memref<!tpu.dma_semaphore, #tpu.memory_space<semaphore_mem>>) src(%dma_wait3A_107 : memref<128x128xf32, #tpu.memory_space<vmem>>) dst(%dma_wait3A_104 : memref<128x128xf32, #tpu.memory_space<hbm>>)
      tpu.yield
    }) : () -> ()
    %mul3A_47 = arith.constant 632 : i32
    %mul3A_48 = arith.muli %arg1, %mul3A_47 : i32
    %add3A_49 = arith.constant 128 : i32
    %add3A_50 = arith.addi %mul3A_48, %add3A_49 : i32
    "tpu.region"() ({
      %run_scoped3A = tpu.sem_alloc : memref<!tpu.dma_semaphore, #tpu.memory_space<semaphore_mem>>
      %dma_start3A = arith.constant 0 : i32
      %dma_start3A_86 = arith.constant 0 : i32
      %dma_start3A_87 = tpu.memref_slice %arg10[%dma_start3A, %dma_start3A_86] : memref<128x128xf32, #tpu.memory_space<vmem>> -> memref<128x128xf32, #tpu.memory_space<vmem>>
      %dma_start3A_88 = arith.constant 0 : i32
      %dma_start3A_89 = tpu.memref_slice %arg13[%add3A_50, %dma_start3A_88] : memref<10112x128xf32, #tpu.memory_space<vmem_shared>> -> memref<128x128xf32, #tpu.memory_space<vmem_shared>>
      %dma_start3A_90 = arith.constant 0 : i32
      %dma_start3A_91 = arith.constant 0 : i32
      %dma_start3A_92 = tpu.memref_slice %arg10[%dma_start3A_90, %dma_start3A_91] : memref<128x128xf32, #tpu.memory_space<vmem>> -> memref<128x128xf32, #tpu.memory_space<vmem>>
      %dma_start3A_93 = arith.constant 0 : i32
      %dma_start3A_94 = tpu.memref_slice %arg13[%add3A_50, %dma_start3A_93] : memref<10112x128xf32, #tpu.memory_space<vmem_shared>> -> memref<128x128xf32, #tpu.memory_space<vmem_shared>>
      tpu.enqueue_dma source(%dma_start3A_94 : memref<128x128xf32, #tpu.memory_space<vmem_shared>>) target(%dma_start3A_92 : memref<128x128xf32, #tpu.memory_space<vmem>>) target_semaphore(%run_scoped3A : memref<!tpu.dma_semaphore, #tpu.memory_space<semaphore_mem>>)
      %dma_wait3A = arith.constant 0 : i32
      %dma_wait3A_95 = arith.constant 0 : i32
      %dma_wait3A_96 = tpu.memref_slice %arg10[%dma_wait3A, %dma_wait3A_95] : memref<128x128xf32, #tpu.memory_space<vmem>> -> memref<128x128xf32, #tpu.memory_space<vmem>>
      %dma_wait3A_97 = arith.constant 0 : i32
      %dma_wait3A_98 = tpu.memref_slice %arg13[%add3A_50, %dma_wait3A_97] : memref<10112x128xf32, #tpu.memory_space<vmem_shared>> -> memref<128x128xf32, #tpu.memory_space<vmem_shared>>
      %dma_wait3A_99 = arith.constant 0 : i32
      %dma_wait3A_100 = arith.constant 0 : i32
      %dma_wait3A_101 = tpu.memref_slice %arg10[%dma_wait3A_99, %dma_wait3A_100] : memref<128x128xf32, #tpu.memory_space<vmem>> -> memref<128x128xf32, #tpu.memory_space<vmem>>
      %dma_wait3A_102 = arith.constant 0 : i32
      %dma_wait3A_103 = tpu.memref_slice %arg13[%add3A_50, %dma_wait3A_102] : memref<10112x128xf32, #tpu.memory_space<vmem_shared>> -> memref<128x128xf32, #tpu.memory_space<vmem_shared>>
      tpu.wait_dma2 semaphore(%run_scoped3A : memref<!tpu.dma_semaphore, #tpu.memory_space<semaphore_mem>>) src(%dma_wait3A_103 : memref<128x128xf32, #tpu.memory_space<vmem_shared>>) dst(%dma_wait3A_101 : memref<128x128xf32, #tpu.memory_space<vmem>>)
      tpu.yield
    }) : () -> ()
    %mul3A_51 = arith.constant 632 : i32
    %mul3A_52 = arith.muli %arg1, %mul3A_51 : i32
    %add3A_53 = arith.constant 128 : i32
    %add3A_54 = arith.addi %mul3A_52, %add3A_53 : i32
    "tpu.region"() ({
      %run_scoped3A = tpu.sem_alloc : memref<!tpu.dma_semaphore, #tpu.memory_space<semaphore_mem>>
      %dma_start3A = arith.constant 0 : i32
      %dma_start3A_86 = arith.constant 0 : i32
      %dma_start3A_87 = tpu.memref_slice %arg10[%dma_start3A, %dma_start3A_86] : memref<128x128xf32, #tpu.memory_space<vmem>> -> memref<128x128xf32, #tpu.memory_space<vmem>>
      %dma_start3A_88 = arith.constant 0 : i32
      %dma_start3A_89 = tpu.memref_slice %arg6[%arg0, %add3A_54, %dma_start3A_88] : memref<2x10112x128xf32, #tpu.memory_space<hbm>> -> memref<1x128x128xf32, #tpu.memory_space<hbm>>
      %dma_start3A_90 = tpu.memref_squeeze %dma_start3A_89 : memref<1x128x128xf32, #tpu.memory_space<hbm>> -> memref<128x128xf32, #tpu.memory_space<hbm>>
      %dma_start3A_91 = arith.constant 0 : i32
      %dma_start3A_92 = tpu.memref_slice %arg6[%arg0, %add3A_54, %dma_start3A_91] : memref<2x10112x128xf32, #tpu.memory_space<hbm>> -> memref<1x128x128xf32, #tpu.memory_space<hbm>>
      %dma_start3A_93 = tpu.memref_squeeze %dma_start3A_92 : memref<1x128x128xf32, #tpu.memory_space<hbm>> -> memref<128x128xf32, #tpu.memory_space<hbm>>
      %dma_start3A_94 = arith.constant 0 : i32
      %dma_start3A_95 = arith.constant 0 : i32
      %dma_start3A_96 = tpu.memref_slice %arg10[%dma_start3A_94, %dma_start3A_95] : memref<128x128xf32, #tpu.memory_space<vmem>> -> memref<128x128xf32, #tpu.memory_space<vmem>>
      tpu.enqueue_dma source(%dma_start3A_96 : memref<128x128xf32, #tpu.memory_space<vmem>>) target(%dma_start3A_93 : memref<128x128xf32, #tpu.memory_space<hbm>>) target_semaphore(%run_scoped3A : memref<!tpu.dma_semaphore, #tpu.memory_space<semaphore_mem>>)
      %dma_wait3A = arith.constant 0 : i32
      %dma_wait3A_97 = arith.constant 0 : i32
      %dma_wait3A_98 = tpu.memref_slice %arg10[%dma_wait3A, %dma_wait3A_97] : memref<128x128xf32, #tpu.memory_space<vmem>> -> memref<128x128xf32, #tpu.memory_space<vmem>>
      %dma_wait3A_99 = arith.constant 0 : i32
      %dma_wait3A_100 = tpu.memref_slice %arg6[%arg0, %add3A_54, %dma_wait3A_99] : memref<2x10112x128xf32, #tpu.memory_space<hbm>> -> memref<1x128x128xf32, #tpu.memory_space<hbm>>
      %dma_wait3A_101 = tpu.memref_squeeze %dma_wait3A_100 : memref<1x128x128xf32, #tpu.memory_space<hbm>> -> memref<128x128xf32, #tpu.memory_space<hbm>>
      %dma_wait3A_102 = arith.constant 0 : i32
      %dma_wait3A_103 = tpu.memref_slice %arg6[%arg0, %add3A_54, %dma_wait3A_102] : memref<2x10112x128xf32, #tpu.memory_space<hbm>> -> memref<1x128x128xf32, #tpu.memory_space<hbm>>
      %dma_wait3A_104 = tpu.memref_squeeze %dma_wait3A_103 : memref<1x128x128xf32, #tpu.memory_space<hbm>> -> memref<128x128xf32, #tpu.memory_space<hbm>>
      %dma_wait3A_105 = arith.constant 0 : i32
      %dma_wait3A_106 = arith.constant 0 : i32
      %dma_wait3A_107 = tpu.memref_slice %arg10[%dma_wait3A_105, %dma_wait3A_106] : memref<128x128xf32, #tpu.memory_space<vmem>> -> memref<128x128xf32, #tpu.memory_space<vmem>>
      tpu.wait_dma2 semaphore(%run_scoped3A : memref<!tpu.dma_semaphore, #tpu.memory_space<semaphore_mem>>) src(%dma_wait3A_107 : memref<128x128xf32, #tpu.memory_space<vmem>>) dst(%dma_wait3A_104 : memref<128x128xf32, #tpu.memory_space<hbm>>)
      tpu.yield
    }) : () -> ()
    %mul3A_55 = arith.constant 632 : i32
    %mul3A_56 = arith.muli %arg1, %mul3A_55 : i32
    %add3A_57 = arith.constant 256 : i32
    %add3A_58 = arith.addi %mul3A_56, %add3A_57 : i32
    "tpu.region"() ({
      %run_scoped3A = tpu.sem_alloc : memref<!tpu.dma_semaphore, #tpu.memory_space<semaphore_mem>>
      %dma_start3A = arith.constant 0 : i32
      %dma_start3A_86 = arith.constant 0 : i32
      %dma_start3A_87 = tpu.memref_slice %arg10[%dma_start3A, %dma_start3A_86] : memref<128x128xf32, #tpu.memory_space<vmem>> -> memref<128x128xf32, #tpu.memory_space<vmem>>
      %dma_start3A_88 = arith.constant 0 : i32
      %dma_start3A_89 = tpu.memref_slice %arg13[%add3A_58, %dma_start3A_88] : memref<10112x128xf32, #tpu.memory_space<vmem_shared>> -> memref<128x128xf32, #tpu.memory_space<vmem_shared>>
      %dma_start3A_90 = arith.constant 0 : i32
      %dma_start3A_91 = arith.constant 0 : i32
      %dma_start3A_92 = tpu.memref_slice %arg10[%dma_start3A_90, %dma_start3A_91] : memref<128x128xf32, #tpu.memory_space<vmem>> -> memref<128x128xf32, #tpu.memory_space<vmem>>
      %dma_start3A_93 = arith.constant 0 : i32
      %dma_start3A_94 = tpu.memref_slice %arg13[%add3A_58, %dma_start3A_93] : memref<10112x128xf32, #tpu.memory_space<vmem_shared>> -> memref<128x128xf32, #tpu.memory_space<vmem_shared>>
      tpu.enqueue_dma source(%dma_start3A_94 : memref<128x128xf32, #tpu.memory_space<vmem_shared>>) target(%dma_start3A_92 : memref<128x128xf32, #tpu.memory_space<vmem>>) target_semaphore(%run_scoped3A : memref<!tpu.dma_semaphore, #tpu.memory_space<semaphore_mem>>)
      %dma_wait3A = arith.constant 0 : i32
      %dma_wait3A_95 = arith.constant 0 : i32
      %dma_wait3A_96 = tpu.memref_slice %arg10[%dma_wait3A, %dma_wait3A_95] : memref<128x128xf32, #tpu.memory_space<vmem>> -> memref<128x128xf32, #tpu.memory_space<vmem>>
      %dma_wait3A_97 = arith.constant 0 : i32
      %dma_wait3A_98 = tpu.memref_slice %arg13[%add3A_58, %dma_wait3A_97] : memref<10112x128xf32, #tpu.memory_space<vmem_shared>> -> memref<128x128xf32, #tpu.memory_space<vmem_shared>>
      %dma_wait3A_99 = arith.constant 0 : i32
      %dma_wait3A_100 = arith.constant 0 : i32
      %dma_wait3A_101 = tpu.memref_slice %arg10[%dma_wait3A_99, %dma_wait3A_100] : memref<128x128xf32, #tpu.memory_space<vmem>> -> memref<128x128xf32, #tpu.memory_space<vmem>>
      %dma_wait3A_102 = arith.constant 0 : i32
      %dma_wait3A_103 = tpu.memref_slice %arg13[%add3A_58, %dma_wait3A_102] : memref<10112x128xf32, #tpu.memory_space<vmem_shared>> -> memref<128x128xf32, #tpu.memory_space<vmem_shared>>
      tpu.wait_dma2 semaphore(%run_scoped3A : memref<!tpu.dma_semaphore, #tpu.memory_space<semaphore_mem>>) src(%dma_wait3A_103 : memref<128x128xf32, #tpu.memory_space<vmem_shared>>) dst(%dma_wait3A_101 : memref<128x128xf32, #tpu.memory_space<vmem>>)
      tpu.yield
    }) : () -> ()
    %mul3A_59 = arith.constant 632 : i32
    %mul3A_60 = arith.muli %arg1, %mul3A_59 : i32
    %add3A_61 = arith.constant 256 : i32
    %add3A_62 = arith.addi %mul3A_60, %add3A_61 : i32
    "tpu.region"() ({
      %run_scoped3A = tpu.sem_alloc : memref<!tpu.dma_semaphore, #tpu.memory_space<semaphore_mem>>
      %dma_start3A = arith.constant 0 : i32
      %dma_start3A_86 = arith.constant 0 : i32
      %dma_start3A_87 = tpu.memref_slice %arg10[%dma_start3A, %dma_start3A_86] : memref<128x128xf32, #tpu.memory_space<vmem>> -> memref<128x128xf32, #tpu.memory_space<vmem>>
      %dma_start3A_88 = arith.constant 0 : i32
      %dma_start3A_89 = tpu.memref_slice %arg6[%arg0, %add3A_62, %dma_start3A_88] : memref<2x10112x128xf32, #tpu.memory_space<hbm>> -> memref<1x128x128xf32, #tpu.memory_space<hbm>>
      %dma_start3A_90 = tpu.memref_squeeze %dma_start3A_89 : memref<1x128x128xf32, #tpu.memory_space<hbm>> -> memref<128x128xf32, #tpu.memory_space<hbm>>
      %dma_start3A_91 = arith.constant 0 : i32
      %dma_start3A_92 = tpu.memref_slice %arg6[%arg0, %add3A_62, %dma_start3A_91] : memref<2x10112x128xf32, #tpu.memory_space<hbm>> -> memref<1x128x128xf32, #tpu.memory_space<hbm>>
      %dma_start3A_93 = tpu.memref_squeeze %dma_start3A_92 : memref<1x128x128xf32, #tpu.memory_space<hbm>> -> memref<128x128xf32, #tpu.memory_space<hbm>>
      %dma_start3A_94 = arith.constant 0 : i32
      %dma_start3A_95 = arith.constant 0 : i32
      %dma_start3A_96 = tpu.memref_slice %arg10[%dma_start3A_94, %dma_start3A_95] : memref<128x128xf32, #tpu.memory_space<vmem>> -> memref<128x128xf32, #tpu.memory_space<vmem>>
      tpu.enqueue_dma source(%dma_start3A_96 : memref<128x128xf32, #tpu.memory_space<vmem>>) target(%dma_start3A_93 : memref<128x128xf32, #tpu.memory_space<hbm>>) target_semaphore(%run_scoped3A : memref<!tpu.dma_semaphore, #tpu.memory_space<semaphore_mem>>)
      %dma_wait3A = arith.constant 0 : i32
      %dma_wait3A_97 = arith.constant 0 : i32
      %dma_wait3A_98 = tpu.memref_slice %arg10[%dma_wait3A, %dma_wait3A_97] : memref<128x128xf32, #tpu.memory_space<vmem>> -> memref<128x128xf32, #tpu.memory_space<vmem>>
      %dma_wait3A_99 = arith.constant 0 : i32
      %dma_wait3A_100 = tpu.memref_slice %arg6[%arg0, %add3A_62, %dma_wait3A_99] : memref<2x10112x128xf32, #tpu.memory_space<hbm>> -> memref<1x128x128xf32, #tpu.memory_space<hbm>>
      %dma_wait3A_101 = tpu.memref_squeeze %dma_wait3A_100 : memref<1x128x128xf32, #tpu.memory_space<hbm>> -> memref<128x128xf32, #tpu.memory_space<hbm>>
      %dma_wait3A_102 = arith.constant 0 : i32
      %dma_wait3A_103 = tpu.memref_slice %arg6[%arg0, %add3A_62, %dma_wait3A_102] : memref<2x10112x128xf32, #tpu.memory_space<hbm>> -> memref<1x128x128xf32, #tpu.memory_space<hbm>>
      %dma_wait3A_104 = tpu.memref_squeeze %dma_wait3A_103 : memref<1x128x128xf32, #tpu.memory_space<hbm>> -> memref<128x128xf32, #tpu.memory_space<hbm>>
      %dma_wait3A_105 = arith.constant 0 : i32
      %dma_wait3A_106 = arith.constant 0 : i32
      %dma_wait3A_107 = tpu.memref_slice %arg10[%dma_wait3A_105, %dma_wait3A_106] : memref<128x128xf32, #tpu.memory_space<vmem>> -> memref<128x128xf32, #tpu.memory_space<vmem>>
      tpu.wait_dma2 semaphore(%run_scoped3A : memref<!tpu.dma_semaphore, #tpu.memory_space<semaphore_mem>>) src(%dma_wait3A_107 : memref<128x128xf32, #tpu.memory_space<vmem>>) dst(%dma_wait3A_104 : memref<128x128xf32, #tpu.memory_space<hbm>>)
      tpu.yield
    }) : () -> ()
    %mul3A_63 = arith.constant 632 : i32
    %mul3A_64 = arith.muli %arg1, %mul3A_63 : i32
    %add3A_65 = arith.constant 384 : i32
    %add3A_66 = arith.addi %mul3A_64, %add3A_65 : i32
    "tpu.region"() ({
      %run_scoped3A = tpu.sem_alloc : memref<!tpu.dma_semaphore, #tpu.memory_space<semaphore_mem>>
      %dma_start3A = arith.constant 0 : i32
      %dma_start3A_86 = arith.constant 0 : i32
      %dma_start3A_87 = tpu.memref_slice %arg10[%dma_start3A, %dma_start3A_86] : memref<128x128xf32, #tpu.memory_space<vmem>> -> memref<128x128xf32, #tpu.memory_space<vmem>>
      %dma_start3A_88 = arith.constant 0 : i32
      %dma_start3A_89 = tpu.memref_slice %arg13[%add3A_66, %dma_start3A_88] : memref<10112x128xf32, #tpu.memory_space<vmem_shared>> -> memref<128x128xf32, #tpu.memory_space<vmem_shared>>
      %dma_start3A_90 = arith.constant 0 : i32
      %dma_start3A_91 = arith.constant 0 : i32
      %dma_start3A_92 = tpu.memref_slice %arg10[%dma_start3A_90, %dma_start3A_91] : memref<128x128xf32, #tpu.memory_space<vmem>> -> memref<128x128xf32, #tpu.memory_space<vmem>>
      %dma_start3A_93 = arith.constant 0 : i32
      %dma_start3A_94 = tpu.memref_slice %arg13[%add3A_66, %dma_start3A_93] : memref<10112x128xf32, #tpu.memory_space<vmem_shared>> -> memref<128x128xf32, #tpu.memory_space<vmem_shared>>
      tpu.enqueue_dma source(%dma_start3A_94 : memref<128x128xf32, #tpu.memory_space<vmem_shared>>) target(%dma_start3A_92 : memref<128x128xf32, #tpu.memory_space<vmem>>) target_semaphore(%run_scoped3A : memref<!tpu.dma_semaphore, #tpu.memory_space<semaphore_mem>>)
      %dma_wait3A = arith.constant 0 : i32
      %dma_wait3A_95 = arith.constant 0 : i32
      %dma_wait3A_96 = tpu.memref_slice %arg10[%dma_wait3A, %dma_wait3A_95] : memref<128x128xf32, #tpu.memory_space<vmem>> -> memref<128x128xf32, #tpu.memory_space<vmem>>
      %dma_wait3A_97 = arith.constant 0 : i32
      %dma_wait3A_98 = tpu.memref_slice %arg13[%add3A_66, %dma_wait3A_97] : memref<10112x128xf32, #tpu.memory_space<vmem_shared>> -> memref<128x128xf32, #tpu.memory_space<vmem_shared>>
      %dma_wait3A_99 = arith.constant 0 : i32
      %dma_wait3A_100 = arith.constant 0 : i32
      %dma_wait3A_101 = tpu.memref_slice %arg10[%dma_wait3A_99, %dma_wait3A_100] : memref<128x128xf32, #tpu.memory_space<vmem>> -> memref<128x128xf32, #tpu.memory_space<vmem>>
      %dma_wait3A_102 = arith.constant 0 : i32
      %dma_wait3A_103 = tpu.memref_slice %arg13[%add3A_66, %dma_wait3A_102] : memref<10112x128xf32, #tpu.memory_space<vmem_shared>> -> memref<128x128xf32, #tpu.memory_space<vmem_shared>>
      tpu.wait_dma2 semaphore(%run_scoped3A : memref<!tpu.dma_semaphore, #tpu.memory_space<semaphore_mem>>) src(%dma_wait3A_103 : memref<128x128xf32, #tpu.memory_space<vmem_shared>>) dst(%dma_wait3A_101 : memref<128x128xf32, #tpu.memory_space<vmem>>)
      tpu.yield
    }) : () -> ()
    %mul3A_67 = arith.constant 632 : i32
    %mul3A_68 = arith.muli %arg1, %mul3A_67 : i32
    %add3A_69 = arith.constant 384 : i32
    %add3A_70 = arith.addi %mul3A_68, %add3A_69 : i32
    "tpu.region"() ({
      %run_scoped3A = tpu.sem_alloc : memref<!tpu.dma_semaphore, #tpu.memory_space<semaphore_mem>>
      %dma_start3A = arith.constant 0 : i32
      %dma_start3A_86 = arith.constant 0 : i32
      %dma_start3A_87 = tpu.memref_slice %arg10[%dma_start3A, %dma_start3A_86] : memref<128x128xf32, #tpu.memory_space<vmem>> -> memref<128x128xf32, #tpu.memory_space<vmem>>
      %dma_start3A_88 = arith.constant 0 : i32
      %dma_start3A_89 = tpu.memref_slice %arg6[%arg0, %add3A_70, %dma_start3A_88] : memref<2x10112x128xf32, #tpu.memory_space<hbm>> -> memref<1x128x128xf32, #tpu.memory_space<hbm>>
      %dma_start3A_90 = tpu.memref_squeeze %dma_start3A_89 : memref<1x128x128xf32, #tpu.memory_space<hbm>> -> memref<128x128xf32, #tpu.memory_space<hbm>>
      %dma_start3A_91 = arith.constant 0 : i32
      %dma_start3A_92 = tpu.memref_slice %arg6[%arg0, %add3A_70, %dma_start3A_91] : memref<2x10112x128xf32, #tpu.memory_space<hbm>> -> memref<1x128x128xf32, #tpu.memory_space<hbm>>
      %dma_start3A_93 = tpu.memref_squeeze %dma_start3A_92 : memref<1x128x128xf32, #tpu.memory_space<hbm>> -> memref<128x128xf32, #tpu.memory_space<hbm>>
      %dma_start3A_94 = arith.constant 0 : i32
      %dma_start3A_95 = arith.constant 0 : i32
      %dma_start3A_96 = tpu.memref_slice %arg10[%dma_start3A_94, %dma_start3A_95] : memref<128x128xf32, #tpu.memory_space<vmem>> -> memref<128x128xf32, #tpu.memory_space<vmem>>
      tpu.enqueue_dma source(%dma_start3A_96 : memref<128x128xf32, #tpu.memory_space<vmem>>) target(%dma_start3A_93 : memref<128x128xf32, #tpu.memory_space<hbm>>) target_semaphore(%run_scoped3A : memref<!tpu.dma_semaphore, #tpu.memory_space<semaphore_mem>>)
      %dma_wait3A = arith.constant 0 : i32
      %dma_wait3A_97 = arith.constant 0 : i32
      %dma_wait3A_98 = tpu.memref_slice %arg10[%dma_wait3A, %dma_wait3A_97] : memref<128x128xf32, #tpu.memory_space<vmem>> -> memref<128x128xf32, #tpu.memory_space<vmem>>
      %dma_wait3A_99 = arith.constant 0 : i32
      %dma_wait3A_100 = tpu.memref_slice %arg6[%arg0, %add3A_70, %dma_wait3A_99] : memref<2x10112x128xf32, #tpu.memory_space<hbm>> -> memref<1x128x128xf32, #tpu.memory_space<hbm>>
      %dma_wait3A_101 = tpu.memref_squeeze %dma_wait3A_100 : memref<1x128x128xf32, #tpu.memory_space<hbm>> -> memref<128x128xf32, #tpu.memory_space<hbm>>
      %dma_wait3A_102 = arith.constant 0 : i32
      %dma_wait3A_103 = tpu.memref_slice %arg6[%arg0, %add3A_70, %dma_wait3A_102] : memref<2x10112x128xf32, #tpu.memory_space<hbm>> -> memref<1x128x128xf32, #tpu.memory_space<hbm>>
      %dma_wait3A_104 = tpu.memref_squeeze %dma_wait3A_103 : memref<1x128x128xf32, #tpu.memory_space<hbm>> -> memref<128x128xf32, #tpu.memory_space<hbm>>
      %dma_wait3A_105 = arith.constant 0 : i32
      %dma_wait3A_106 = arith.constant 0 : i32
      %dma_wait3A_107 = tpu.memref_slice %arg10[%dma_wait3A_105, %dma_wait3A_106] : memref<128x128xf32, #tpu.memory_space<vmem>> -> memref<128x128xf32, #tpu.memory_space<vmem>>
      tpu.wait_dma2 semaphore(%run_scoped3A : memref<!tpu.dma_semaphore, #tpu.memory_space<semaphore_mem>>) src(%dma_wait3A_107 : memref<128x128xf32, #tpu.memory_space<vmem>>) dst(%dma_wait3A_104 : memref<128x128xf32, #tpu.memory_space<hbm>>)
      tpu.yield
    }) : () -> ()
    %mul3A_71 = arith.constant 632 : i32
    %mul3A_72 = arith.muli %arg1, %mul3A_71 : i32
    %add3A_73 = arith.constant 512 : i32
    %add3A_74 = arith.addi %mul3A_72, %add3A_73 : i32
    "tpu.region"() ({
      %run_scoped3A = tpu.sem_alloc : memref<!tpu.dma_semaphore, #tpu.memory_space<semaphore_mem>>
      %dma_start3A = arith.constant 0 : i32
      %dma_start3A_86 = arith.constant 0 : i32
      %dma_start3A_87 = tpu.memref_slice %arg10[%dma_start3A, %dma_start3A_86] : memref<128x128xf32, #tpu.memory_space<vmem>> -> memref<120x128xf32, #tpu.memory_space<vmem>>
      %dma_start3A_88 = arith.constant 0 : i32
      %dma_start3A_89 = tpu.memref_slice %arg13[%add3A_74, %dma_start3A_88] : memref<10112x128xf32, #tpu.memory_space<vmem_shared>> -> memref<120x128xf32, #tpu.memory_space<vmem_shared>>
      %dma_start3A_90 = arith.constant 0 : i32
      %dma_start3A_91 = arith.constant 0 : i32
      %dma_start3A_92 = tpu.memref_slice %arg10[%dma_start3A_90, %dma_start3A_91] : memref<128x128xf32, #tpu.memory_space<vmem>> -> memref<120x128xf32, #tpu.memory_space<vmem>>
      %dma_start3A_93 = arith.constant 0 : i32
      %dma_start3A_94 = tpu.memref_slice %arg13[%add3A_74, %dma_start3A_93] : memref<10112x128xf32, #tpu.memory_space<vmem_shared>> -> memref<120x128xf32, #tpu.memory_space<vmem_shared>>
      tpu.enqueue_dma source(%dma_start3A_94 : memref<120x128xf32, #tpu.memory_space<vmem_shared>>) target(%dma_start3A_92 : memref<120x128xf32, #tpu.memory_space<vmem>>) target_semaphore(%run_scoped3A : memref<!tpu.dma_semaphore, #tpu.memory_space<semaphore_mem>>)
      %dma_wait3A = arith.constant 0 : i32
      %dma_wait3A_95 = arith.constant 0 : i32
      %dma_wait3A_96 = tpu.memref_slice %arg10[%dma_wait3A, %dma_wait3A_95] : memref<128x128xf32, #tpu.memory_space<vmem>> -> memref<120x128xf32, #tpu.memory_space<vmem>>
      %dma_wait3A_97 = arith.constant 0 : i32
      %dma_wait3A_98 = tpu.memref_slice %arg13[%add3A_74, %dma_wait3A_97] : memref<10112x128xf32, #tpu.memory_space<vmem_shared>> -> memref<120x128xf32, #tpu.memory_space<vmem_shared>>
      %dma_wait3A_99 = arith.constant 0 : i32
      %dma_wait3A_100 = arith.constant 0 : i32
      %dma_wait3A_101 = tpu.memref_slice %arg10[%dma_wait3A_99, %dma_wait3A_100] : memref<128x128xf32, #tpu.memory_space<vmem>> -> memref<120x128xf32, #tpu.memory_space<vmem>>
      %dma_wait3A_102 = arith.constant 0 : i32
      %dma_wait3A_103 = tpu.memref_slice %arg13[%add3A_74, %dma_wait3A_102] : memref<10112x128xf32, #tpu.memory_space<vmem_shared>> -> memref<120x128xf32, #tpu.memory_space<vmem_shared>>
      tpu.wait_dma2 semaphore(%run_scoped3A : memref<!tpu.dma_semaphore, #tpu.memory_space<semaphore_mem>>) src(%dma_wait3A_103 : memref<120x128xf32, #tpu.memory_space<vmem_shared>>) dst(%dma_wait3A_101 : memref<120x128xf32, #tpu.memory_space<vmem>>)
      tpu.yield
    }) : () -> ()
    %mul3A_75 = arith.constant 632 : i32
    %mul3A_76 = arith.muli %arg1, %mul3A_75 : i32
    %add3A_77 = arith.constant 512 : i32
    %add3A_78 = arith.addi %mul3A_76, %add3A_77 : i32
    "tpu.region"() ({
      %run_scoped3A = tpu.sem_alloc : memref<!tpu.dma_semaphore, #tpu.memory_space<semaphore_mem>>
      %dma_start3A = arith.constant 0 : i32
      %dma_start3A_86 = arith.constant 0 : i32
      %dma_start3A_87 = tpu.memref_slice %arg10[%dma_start3A, %dma_start3A_86] : memref<128x128xf32, #tpu.memory_space<vmem>> -> memref<120x128xf32, #tpu.memory_space<vmem>>
      %dma_start3A_88 = arith.constant 0 : i32
      %dma_start3A_89 = tpu.memref_slice %arg6[%arg0, %add3A_78, %dma_start3A_88] : memref<2x10112x128xf32, #tpu.memory_space<hbm>> -> memref<1x120x128xf32, #tpu.memory_space<hbm>>
      %dma_start3A_90 = tpu.memref_squeeze %dma_start3A_89 : memref<1x120x128xf32, #tpu.memory_space<hbm>> -> memref<120x128xf32, #tpu.memory_space<hbm>>
      %dma_start3A_91 = arith.constant 0 : i32
      %dma_start3A_92 = tpu.memref_slice %arg6[%arg0, %add3A_78, %dma_start3A_91] : memref<2x10112x128xf32, #tpu.memory_space<hbm>> -> memref<1x120x128xf32, #tpu.memory_space<hbm>>
      %dma_start3A_93 = tpu.memref_squeeze %dma_start3A_92 : memref<1x120x128xf32, #tpu.memory_space<hbm>> -> memref<120x128xf32, #tpu.memory_space<hbm>>
      %dma_start3A_94 = arith.constant 0 : i32
      %dma_start3A_95 = arith.constant 0 : i32
      %dma_start3A_96 = tpu.memref_slice %arg10[%dma_start3A_94, %dma_start3A_95] : memref<128x128xf32, #tpu.memory_space<vmem>> -> memref<120x128xf32, #tpu.memory_space<vmem>>
      tpu.enqueue_dma source(%dma_start3A_96 : memref<120x128xf32, #tpu.memory_space<vmem>>) target(%dma_start3A_93 : memref<120x128xf32, #tpu.memory_space<hbm>>) target_semaphore(%run_scoped3A : memref<!tpu.dma_semaphore, #tpu.memory_space<semaphore_mem>>)
      %dma_wait3A = arith.constant 0 : i32
      %dma_wait3A_97 = arith.constant 0 : i32
      %dma_wait3A_98 = tpu.memref_slice %arg10[%dma_wait3A, %dma_wait3A_97] : memref<128x128xf32, #tpu.memory_space<vmem>> -> memref<120x128xf32, #tpu.memory_space<vmem>>
      %dma_wait3A_99 = arith.constant 0 : i32
      %dma_wait3A_100 = tpu.memref_slice %arg6[%arg0, %add3A_78, %dma_wait3A_99] : memref<2x10112x128xf32, #tpu.memory_space<hbm>> -> memref<1x120x128xf32, #tpu.memory_space<hbm>>
      %dma_wait3A_101 = tpu.memref_squeeze %dma_wait3A_100 : memref<1x120x128xf32, #tpu.memory_space<hbm>> -> memref<120x128xf32, #tpu.memory_space<hbm>>
      %dma_wait3A_102 = arith.constant 0 : i32
      %dma_wait3A_103 = tpu.memref_slice %arg6[%arg0, %add3A_78, %dma_wait3A_102] : memref<2x10112x128xf32, #tpu.memory_space<hbm>> -> memref<1x120x128xf32, #tpu.memory_space<hbm>>
      %dma_wait3A_104 = tpu.memref_squeeze %dma_wait3A_103 : memref<1x120x128xf32, #tpu.memory_space<hbm>> -> memref<120x128xf32, #tpu.memory_space<hbm>>
      %dma_wait3A_105 = arith.constant 0 : i32
      %dma_wait3A_106 = arith.constant 0 : i32
      %dma_wait3A_107 = tpu.memref_slice %arg10[%dma_wait3A_105, %dma_wait3A_106] : memref<128x128xf32, #tpu.memory_space<vmem>> -> memref<120x128xf32, #tpu.memory_space<vmem>>
      tpu.wait_dma2 semaphore(%run_scoped3A : memref<!tpu.dma_semaphore, #tpu.memory_space<semaphore_mem>>) src(%dma_wait3A_107 : memref<120x128xf32, #tpu.memory_space<vmem>>) dst(%dma_wait3A_104 : memref<120x128xf32, #tpu.memory_space<hbm>>)
      tpu.yield
    }) : () -> ()
    %mul3A_79 = arith.constant 632 : i32
    %mul3A_80 = arith.muli %arg1, %mul3A_79 : i32
    "tpu.region"() ({
      %run_scoped3A = tpu.sem_alloc : memref<!tpu.dma_semaphore, #tpu.memory_space<semaphore_mem>>
      %dma_start3A = arith.constant 0 : i32
      %dma_start3A_86 = tpu.memref_slice %arg12[%dma_start3A] : memref<640xf32, #tpu.memory_space<vmem>> -> memref<632xf32, #tpu.memory_space<vmem>>
      %dma_start3A_87 = tpu.memref_slice %arg14[%mul3A_80] : memref<10112xf32, #tpu.memory_space<vmem_shared>> -> memref<632xf32, #tpu.memory_space<vmem_shared>>
      %dma_start3A_88 = arith.constant 0 : i32
      %dma_start3A_89 = tpu.memref_slice %arg12[%dma_start3A_88] : memref<640xf32, #tpu.memory_space<vmem>> -> memref<632xf32, #tpu.memory_space<vmem>>
      %dma_start3A_90 = tpu.memref_slice %arg14[%mul3A_80] : memref<10112xf32, #tpu.memory_space<vmem_shared>> -> memref<632xf32, #tpu.memory_space<vmem_shared>>
      tpu.enqueue_dma source(%dma_start3A_90 : memref<632xf32, #tpu.memory_space<vmem_shared>>) target(%dma_start3A_89 : memref<632xf32, #tpu.memory_space<vmem>>) target_semaphore(%run_scoped3A : memref<!tpu.dma_semaphore, #tpu.memory_space<semaphore_mem>>)
      %dma_wait3A = arith.constant 0 : i32
      %dma_wait3A_91 = tpu.memref_slice %arg12[%dma_wait3A] : memref<640xf32, #tpu.memory_space<vmem>> -> memref<632xf32, #tpu.memory_space<vmem>>
      %dma_wait3A_92 = tpu.memref_slice %arg14[%mul3A_80] : memref<10112xf32, #tpu.memory_space<vmem_shared>> -> memref<632xf32, #tpu.memory_space<vmem_shared>>
      %dma_wait3A_93 = arith.constant 0 : i32
      %dma_wait3A_94 = tpu.memref_slice %arg12[%dma_wait3A_93] : memref<640xf32, #tpu.memory_space<vmem>> -> memref<632xf32, #tpu.memory_space<vmem>>
      %dma_wait3A_95 = tpu.memref_slice %arg14[%mul3A_80] : memref<10112xf32, #tpu.memory_space<vmem_shared>> -> memref<632xf32, #tpu.memory_space<vmem_shared>>
      tpu.wait_dma2 semaphore(%run_scoped3A : memref<!tpu.dma_semaphore, #tpu.memory_space<semaphore_mem>>) src(%dma_wait3A_95 : memref<632xf32, #tpu.memory_space<vmem_shared>>) dst(%dma_wait3A_94 : memref<632xf32, #tpu.memory_space<vmem>>)
      tpu.yield
    }) : () -> ()
    %mul3A_81 = arith.constant 10112 : i32
    %mul3A_82 = arith.muli %arg0, %mul3A_81 : i32
    %mul3A_83 = arith.constant 632 : i32
    %mul3A_84 = arith.muli %arg1, %mul3A_83 : i32
    %add3A_85 = arith.addi %mul3A_82, %mul3A_84 : i32
    "tpu.region"() ({
      %run_scoped3A = tpu.sem_alloc : memref<!tpu.dma_semaphore, #tpu.memory_space<semaphore_mem>>
      %dma_start3A = arith.constant 0 : i32
      %dma_start3A_86 = tpu.memref_slice %arg12[%dma_start3A] : memref<640xf32, #tpu.memory_space<vmem>> -> memref<632xf32, #tpu.memory_space<vmem>>
      %dma_start3A_87 = tpu.memref_slice %arg7[%add3A_85] : memref<20224xf32, #tpu.memory_space<hbm>> -> memref<632xf32, #tpu.memory_space<hbm>>
      %dma_start3A_88 = tpu.memref_slice %arg7[%add3A_85] : memref<20224xf32, #tpu.memory_space<hbm>> -> memref<632xf32, #tpu.memory_space<hbm>>
      %dma_start3A_89 = arith.constant 0 : i32
      %dma_start3A_90 = tpu.memref_slice %arg12[%dma_start3A_89] : memref<640xf32, #tpu.memory_space<vmem>> -> memref<632xf32, #tpu.memory_space<vmem>>
      tpu.enqueue_dma source(%dma_start3A_90 : memref<632xf32, #tpu.memory_space<vmem>>) target(%dma_start3A_88 : memref<632xf32, #tpu.memory_space<hbm>>) target_semaphore(%run_scoped3A : memref<!tpu.dma_semaphore, #tpu.memory_space<semaphore_mem>>)
      %dma_wait3A = arith.constant 0 : i32
      %dma_wait3A_91 = tpu.memref_slice %arg12[%dma_wait3A] : memref<640xf32, #tpu.memory_space<vmem>> -> memref<632xf32, #tpu.memory_space<vmem>>
      %dma_wait3A_92 = tpu.memref_slice %arg7[%add3A_85] : memref<20224xf32, #tpu.memory_space<hbm>> -> memref<632xf32, #tpu.memory_space<hbm>>
      %dma_wait3A_93 = tpu.memref_slice %arg7[%add3A_85] : memref<20224xf32, #tpu.memory_space<hbm>> -> memref<632xf32, #tpu.memory_space<hbm>>
      %dma_wait3A_94 = arith.constant 0 : i32
      %dma_wait3A_95 = tpu.memref_slice %arg12[%dma_wait3A_94] : memref<640xf32, #tpu.memory_space<vmem>> -> memref<632xf32, #tpu.memory_space<vmem>>
      tpu.wait_dma2 semaphore(%run_scoped3A : memref<!tpu.dma_semaphore, #tpu.memory_space<semaphore_mem>>) src(%dma_wait3A_95 : memref<632xf32, #tpu.memory_space<vmem>>) dst(%dma_wait3A_93 : memref<632xf32, #tpu.memory_space<hbm>>)
      tpu.yield
    }) : () -> ()
    return
  }
}

#map = affine_map<(d0, d1) -> (0)>
#map1 = affine_map<(d0, d1) -> (0, 0, 0)>
module attributes {stable_mosaic.version = 14 : i64} {
  func.func @_sc1_body(%arg0: i32, %arg1: i32, %arg2: memref<10112xf32, #tpu.memory_space<hbm>>, %arg3: memref<32x80x128xi32, #tpu.memory_space<hbm>>, %arg4: memref<32x80x128xi32, #tpu.memory_space<hbm>>, %arg5: memref<32x80x128xf32, #tpu.memory_space<hbm>>, %arg6: memref<20224xf32, #tpu.memory_space<hbm>>, %arg7: memref<20224xf32, #tpu.memory_space<hbm>>, %arg8: memref<80x128xi32, #tpu.memory_space<vmem>>, %arg9: memref<80x128xi32, #tpu.memory_space<vmem>>, %arg10: memref<80x128xf32, #tpu.memory_space<vmem>>, %arg11: memref<128xf32, #tpu.memory_space<vmem>>, %arg12: memref<128xf32, #tpu.memory_space<vmem>>, %arg13: memref<640xf32, #tpu.memory_space<vmem>>, %arg14: memref<10112xf32, #tpu.memory_space<vmem_shared>>, %arg15: memref<10112xf32, #tpu.memory_space<vmem_shared>>, %arg16: memref<!tpu.dma_semaphore, #tpu.memory_space<semaphore_mem>>) attributes {dimension_semantics = [#tpu.dimension_semantics<core_parallel>, #tpu.dimension_semantics<subcore_parallel>], iteration_bounds = array<i64: 2, 16>, scalar_prefetch = 0 : i64, scratch_operands = 9 : i64, tpu.core_type = #tpu.core_type<sc_vector_subcore>, window_params = [{transform_indices = #map}, {transform_indices = #map1}, {transform_indices = #map1}, {transform_indices = #map1}, {transform_indices = #map}, {transform_indices = #map}]} {
    %mul3A = arith.constant 2 : i32
    %mul3A_0 = arith.muli %arg1, %mul3A : i32
    %add3A = arith.addi %mul3A_0, %arg0 : i32
    "tpu.region"() ({
      %run_scoped3A = tpu.sem_alloc : memref<!tpu.dma_semaphore, #tpu.memory_space<semaphore_mem>>
      %dma_start3A = arith.constant 0 : i32
      %dma_start3A_30 = arith.constant 0 : i32
      %dma_start3A_31 = tpu.memref_slice %arg3[%add3A, %dma_start3A, %dma_start3A_30] : memref<32x80x128xi32, #tpu.memory_space<hbm>> -> memref<1x80x128xi32, #tpu.memory_space<hbm>>
      %dma_start3A_32 = tpu.memref_squeeze %dma_start3A_31 : memref<1x80x128xi32, #tpu.memory_space<hbm>> -> memref<80x128xi32, #tpu.memory_space<hbm>>
      %dma_start3A_33 = arith.constant 0 : i32
      %dma_start3A_34 = arith.constant 0 : i32
      %dma_start3A_35 = tpu.memref_slice %arg3[%add3A, %dma_start3A_33, %dma_start3A_34] : memref<32x80x128xi32, #tpu.memory_space<hbm>> -> memref<1x80x128xi32, #tpu.memory_space<hbm>>
      %dma_start3A_36 = tpu.memref_squeeze %dma_start3A_35 : memref<1x80x128xi32, #tpu.memory_space<hbm>> -> memref<80x128xi32, #tpu.memory_space<hbm>>
      tpu.enqueue_dma source(%dma_start3A_36 : memref<80x128xi32, #tpu.memory_space<hbm>>) target(%arg8 : memref<80x128xi32, #tpu.memory_space<vmem>>) target_semaphore(%run_scoped3A : memref<!tpu.dma_semaphore, #tpu.memory_space<semaphore_mem>>)
      %dma_wait3A = arith.constant 0 : i32
      %dma_wait3A_37 = arith.constant 0 : i32
      %dma_wait3A_38 = tpu.memref_slice %arg3[%add3A, %dma_wait3A, %dma_wait3A_37] : memref<32x80x128xi32, #tpu.memory_space<hbm>> -> memref<1x80x128xi32, #tpu.memory_space<hbm>>
      %dma_wait3A_39 = tpu.memref_squeeze %dma_wait3A_38 : memref<1x80x128xi32, #tpu.memory_space<hbm>> -> memref<80x128xi32, #tpu.memory_space<hbm>>
      %dma_wait3A_40 = arith.constant 0 : i32
      %dma_wait3A_41 = arith.constant 0 : i32
      %dma_wait3A_42 = tpu.memref_slice %arg3[%add3A, %dma_wait3A_40, %dma_wait3A_41] : memref<32x80x128xi32, #tpu.memory_space<hbm>> -> memref<1x80x128xi32, #tpu.memory_space<hbm>>
      %dma_wait3A_43 = tpu.memref_squeeze %dma_wait3A_42 : memref<1x80x128xi32, #tpu.memory_space<hbm>> -> memref<80x128xi32, #tpu.memory_space<hbm>>
      tpu.wait_dma2 semaphore(%run_scoped3A : memref<!tpu.dma_semaphore, #tpu.memory_space<semaphore_mem>>) src(%dma_wait3A_43 : memref<80x128xi32, #tpu.memory_space<hbm>>) dst(%arg8 : memref<80x128xi32, #tpu.memory_space<vmem>>)
      tpu.yield
    }) : () -> ()
    "tpu.region"() ({
      %run_scoped3A = tpu.sem_alloc : memref<!tpu.dma_semaphore, #tpu.memory_space<semaphore_mem>>
      %dma_start3A = arith.constant 0 : i32
      %dma_start3A_30 = arith.constant 0 : i32
      %dma_start3A_31 = tpu.memref_slice %arg4[%add3A, %dma_start3A, %dma_start3A_30] : memref<32x80x128xi32, #tpu.memory_space<hbm>> -> memref<1x80x128xi32, #tpu.memory_space<hbm>>
      %dma_start3A_32 = tpu.memref_squeeze %dma_start3A_31 : memref<1x80x128xi32, #tpu.memory_space<hbm>> -> memref<80x128xi32, #tpu.memory_space<hbm>>
      %dma_start3A_33 = arith.constant 0 : i32
      %dma_start3A_34 = arith.constant 0 : i32
      %dma_start3A_35 = tpu.memref_slice %arg4[%add3A, %dma_start3A_33, %dma_start3A_34] : memref<32x80x128xi32, #tpu.memory_space<hbm>> -> memref<1x80x128xi32, #tpu.memory_space<hbm>>
      %dma_start3A_36 = tpu.memref_squeeze %dma_start3A_35 : memref<1x80x128xi32, #tpu.memory_space<hbm>> -> memref<80x128xi32, #tpu.memory_space<hbm>>
      tpu.enqueue_dma source(%dma_start3A_36 : memref<80x128xi32, #tpu.memory_space<hbm>>) target(%arg9 : memref<80x128xi32, #tpu.memory_space<vmem>>) target_semaphore(%run_scoped3A : memref<!tpu.dma_semaphore, #tpu.memory_space<semaphore_mem>>)
      %dma_wait3A = arith.constant 0 : i32
      %dma_wait3A_37 = arith.constant 0 : i32
      %dma_wait3A_38 = tpu.memref_slice %arg4[%add3A, %dma_wait3A, %dma_wait3A_37] : memref<32x80x128xi32, #tpu.memory_space<hbm>> -> memref<1x80x128xi32, #tpu.memory_space<hbm>>
      %dma_wait3A_39 = tpu.memref_squeeze %dma_wait3A_38 : memref<1x80x128xi32, #tpu.memory_space<hbm>> -> memref<80x128xi32, #tpu.memory_space<hbm>>
      %dma_wait3A_40 = arith.constant 0 : i32
      %dma_wait3A_41 = arith.constant 0 : i32
      %dma_wait3A_42 = tpu.memref_slice %arg4[%add3A, %dma_wait3A_40, %dma_wait3A_41] : memref<32x80x128xi32, #tpu.memory_space<hbm>> -> memref<1x80x128xi32, #tpu.memory_space<hbm>>
      %dma_wait3A_43 = tpu.memref_squeeze %dma_wait3A_42 : memref<1x80x128xi32, #tpu.memory_space<hbm>> -> memref<80x128xi32, #tpu.memory_space<hbm>>
      tpu.wait_dma2 semaphore(%run_scoped3A : memref<!tpu.dma_semaphore, #tpu.memory_space<semaphore_mem>>) src(%dma_wait3A_43 : memref<80x128xi32, #tpu.memory_space<hbm>>) dst(%arg9 : memref<80x128xi32, #tpu.memory_space<vmem>>)
      tpu.yield
    }) : () -> ()
    "tpu.region"() ({
      %run_scoped3A = tpu.sem_alloc : memref<!tpu.dma_semaphore, #tpu.memory_space<semaphore_mem>>
      %dma_start3A = arith.constant 0 : i32
      %dma_start3A_30 = arith.constant 0 : i32
      %dma_start3A_31 = tpu.memref_slice %arg5[%add3A, %dma_start3A, %dma_start3A_30] : memref<32x80x128xf32, #tpu.memory_space<hbm>> -> memref<1x80x128xf32, #tpu.memory_space<hbm>>
      %dma_start3A_32 = tpu.memref_squeeze %dma_start3A_31 : memref<1x80x128xf32, #tpu.memory_space<hbm>> -> memref<80x128xf32, #tpu.memory_space<hbm>>
      %dma_start3A_33 = arith.constant 0 : i32
      %dma_start3A_34 = arith.constant 0 : i32
      %dma_start3A_35 = tpu.memref_slice %arg5[%add3A, %dma_start3A_33, %dma_start3A_34] : memref<32x80x128xf32, #tpu.memory_space<hbm>> -> memref<1x80x128xf32, #tpu.memory_space<hbm>>
      %dma_start3A_36 = tpu.memref_squeeze %dma_start3A_35 : memref<1x80x128xf32, #tpu.memory_space<hbm>> -> memref<80x128xf32, #tpu.memory_space<hbm>>
      tpu.enqueue_dma source(%dma_start3A_36 : memref<80x128xf32, #tpu.memory_space<hbm>>) target(%arg10 : memref<80x128xf32, #tpu.memory_space<vmem>>) target_semaphore(%run_scoped3A : memref<!tpu.dma_semaphore, #tpu.memory_space<semaphore_mem>>)
      %dma_wait3A = arith.constant 0 : i32
      %dma_wait3A_37 = arith.constant 0 : i32
      %dma_wait3A_38 = tpu.memref_slice %arg5[%add3A, %dma_wait3A, %dma_wait3A_37] : memref<32x80x128xf32, #tpu.memory_space<hbm>> -> memref<1x80x128xf32, #tpu.memory_space<hbm>>
      %dma_wait3A_39 = tpu.memref_squeeze %dma_wait3A_38 : memref<1x80x128xf32, #tpu.memory_space<hbm>> -> memref<80x128xf32, #tpu.memory_space<hbm>>
      %dma_wait3A_40 = arith.constant 0 : i32
      %dma_wait3A_41 = arith.constant 0 : i32
      %dma_wait3A_42 = tpu.memref_slice %arg5[%add3A, %dma_wait3A_40, %dma_wait3A_41] : memref<32x80x128xf32, #tpu.memory_space<hbm>> -> memref<1x80x128xf32, #tpu.memory_space<hbm>>
      %dma_wait3A_43 = tpu.memref_squeeze %dma_wait3A_42 : memref<1x80x128xf32, #tpu.memory_space<hbm>> -> memref<80x128xf32, #tpu.memory_space<hbm>>
      tpu.wait_dma2 semaphore(%run_scoped3A : memref<!tpu.dma_semaphore, #tpu.memory_space<semaphore_mem>>) src(%dma_wait3A_43 : memref<80x128xf32, #tpu.memory_space<hbm>>) dst(%arg10 : memref<80x128xf32, #tpu.memory_space<vmem>>)
      tpu.yield
    }) : () -> ()
    %broadcast_in_dim3A = arith.constant 0.000000e+00 : f32
    %broadcast_in_dim3A_1 = vector.broadcast %broadcast_in_dim3A : f32 to vector<16xf32>
    %scan3A = arith.constant 0 : i32
    %scan3A_2 = arith.constant 40 : i32
    %scan3A_3 = arith.addi %scan3A, %scan3A_2 : i32
    %scan3A_4 = arith.constant 1 : i32
    scf.for %scan3A_30 = %scan3A to %scan3A_3 step %scan3A_4  : i32 {
      %mul3A_31 = arith.constant 1 : i32
      %mul3A_32 = arith.muli %scan3A_30, %mul3A_31 : i32
      %add3A_33 = arith.constant 0 : i32
      %add3A_34 = arith.addi %add3A_33, %mul3A_32 : i32
      %mul3A_35 = arith.constant 16 : i32
      %mul3A_36 = arith.muli %add3A_34, %mul3A_35 : i32
      %swap3A = arith.index_cast %mul3A_36 : i32 to index
      %swap3A_37 = tpu.vector_load %arg13[%swap3A] {strides = array<i32>} : memref<640xf32, #tpu.memory_space<vmem>>, vector<16xf32>,
      %swap3A_38 = vector.shape_cast %swap3A_37 : vector<16xf32> to vector<16xf32>
      %swap3A_39 = vector.shape_cast %broadcast_in_dim3A_1 : vector<16xf32> to vector<16xf32>
      tpu.vector_store %arg13[%swap3A], %swap3A_39 {strides = array<i32>} : memref<640xf32, #tpu.memory_space<vmem>>, vector<16xf32>,
    }
    %scan3A_5 = arith.constant 40 : i32
    %mul3A_6 = arith.constant 632 : i32
    %mul3A_7 = arith.muli %arg1, %mul3A_6 : i32
    "tpu.region"() ({
      %run_scoped3A = tpu.sem_alloc : memref<!tpu.dma_semaphore, #tpu.memory_space<semaphore_mem>>
      %dma_start3A = arith.constant 0 : i32
      %dma_start3A_30 = tpu.memref_slice %arg13[%dma_start3A] : memref<640xf32, #tpu.memory_space<vmem>> -> memref<632xf32, #tpu.memory_space<vmem>>
      %dma_start3A_31 = tpu.memref_slice %arg14[%mul3A_7] : memref<10112xf32, #tpu.memory_space<vmem_shared>> -> memref<632xf32, #tpu.memory_space<vmem_shared>>
      %dma_start3A_32 = tpu.memref_slice %arg14[%mul3A_7] : memref<10112xf32, #tpu.memory_space<vmem_shared>> -> memref<632xf32, #tpu.memory_space<vmem_shared>>
      %dma_start3A_33 = arith.constant 0 : i32
      %dma_start3A_34 = tpu.memref_slice %arg13[%dma_start3A_33] : memref<640xf32, #tpu.memory_space<vmem>> -> memref<632xf32, #tpu.memory_space<vmem>>
      tpu.enqueue_dma source(%dma_start3A_34 : memref<632xf32, #tpu.memory_space<vmem>>) target(%dma_start3A_32 : memref<632xf32, #tpu.memory_space<vmem_shared>>) target_semaphore(%run_scoped3A : memref<!tpu.dma_semaphore, #tpu.memory_space<semaphore_mem>>)
      %dma_wait3A = arith.constant 0 : i32
      %dma_wait3A_35 = tpu.memref_slice %arg13[%dma_wait3A] : memref<640xf32, #tpu.memory_space<vmem>> -> memref<632xf32, #tpu.memory_space<vmem>>
      %dma_wait3A_36 = tpu.memref_slice %arg14[%mul3A_7] : memref<10112xf32, #tpu.memory_space<vmem_shared>> -> memref<632xf32, #tpu.memory_space<vmem_shared>>
      %dma_wait3A_37 = tpu.memref_slice %arg14[%mul3A_7] : memref<10112xf32, #tpu.memory_space<vmem_shared>> -> memref<632xf32, #tpu.memory_space<vmem_shared>>
      %dma_wait3A_38 = arith.constant 0 : i32
      %dma_wait3A_39 = tpu.memref_slice %arg13[%dma_wait3A_38] : memref<640xf32, #tpu.memory_space<vmem>> -> memref<632xf32, #tpu.memory_space<vmem>>
      tpu.wait_dma2 semaphore(%run_scoped3A : memref<!tpu.dma_semaphore, #tpu.memory_space<semaphore_mem>>) src(%dma_wait3A_39 : memref<632xf32, #tpu.memory_space<vmem>>) dst(%dma_wait3A_37 : memref<632xf32, #tpu.memory_space<vmem_shared>>)
      tpu.yield
    }) : () -> ()
    %mul3A_8 = arith.constant 632 : i32
    %mul3A_9 = arith.muli %arg1, %mul3A_8 : i32
    "tpu.region"() ({
      %run_scoped3A = tpu.sem_alloc : memref<!tpu.dma_semaphore, #tpu.memory_space<semaphore_mem>>
      %dma_start3A = arith.constant 0 : i32
      %dma_start3A_30 = tpu.memref_slice %arg13[%dma_start3A] : memref<640xf32, #tpu.memory_space<vmem>> -> memref<632xf32, #tpu.memory_space<vmem>>
      %dma_start3A_31 = tpu.memref_slice %arg15[%mul3A_9] : memref<10112xf32, #tpu.memory_space<vmem_shared>> -> memref<632xf32, #tpu.memory_space<vmem_shared>>
      %dma_start3A_32 = tpu.memref_slice %arg15[%mul3A_9] : memref<10112xf32, #tpu.memory_space<vmem_shared>> -> memref<632xf32, #tpu.memory_space<vmem_shared>>
      %dma_start3A_33 = arith.constant 0 : i32
      %dma_start3A_34 = tpu.memref_slice %arg13[%dma_start3A_33] : memref<640xf32, #tpu.memory_space<vmem>> -> memref<632xf32, #tpu.memory_space<vmem>>
      tpu.enqueue_dma source(%dma_start3A_34 : memref<632xf32, #tpu.memory_space<vmem>>) target(%dma_start3A_32 : memref<632xf32, #tpu.memory_space<vmem_shared>>) target_semaphore(%run_scoped3A : memref<!tpu.dma_semaphore, #tpu.memory_space<semaphore_mem>>)
      %dma_wait3A = arith.constant 0 : i32
      %dma_wait3A_35 = tpu.memref_slice %arg13[%dma_wait3A] : memref<640xf32, #tpu.memory_space<vmem>> -> memref<632xf32, #tpu.memory_space<vmem>>
      %dma_wait3A_36 = tpu.memref_slice %arg15[%mul3A_9] : memref<10112xf32, #tpu.memory_space<vmem_shared>> -> memref<632xf32, #tpu.memory_space<vmem_shared>>
      %dma_wait3A_37 = tpu.memref_slice %arg15[%mul3A_9] : memref<10112xf32, #tpu.memory_space<vmem_shared>> -> memref<632xf32, #tpu.memory_space<vmem_shared>>
      %dma_wait3A_38 = arith.constant 0 : i32
      %dma_wait3A_39 = tpu.memref_slice %arg13[%dma_wait3A_38] : memref<640xf32, #tpu.memory_space<vmem>> -> memref<632xf32, #tpu.memory_space<vmem>>
      tpu.wait_dma2 semaphore(%run_scoped3A : memref<!tpu.dma_semaphore, #tpu.memory_space<semaphore_mem>>) src(%dma_wait3A_39 : memref<632xf32, #tpu.memory_space<vmem>>) dst(%dma_wait3A_37 : memref<632xf32, #tpu.memory_space<vmem_shared>>)
      tpu.yield
    }) : () -> ()
    %barrier3A = arith.constant 0 : index
    tpu.barrier barrier_id(%barrier3A)
    %scan3A_10 = arith.constant 0 : i32
    %scan3A_11 = arith.constant 80 : i32
    %scan3A_12 = arith.addi %scan3A_10, %scan3A_11 : i32
    %scan3A_13 = arith.constant 1 : i32
    scf.for %scan3A_30 = %scan3A_10 to %scan3A_12 step %scan3A_13  : i32 {
      %mul3A_31 = arith.constant 1 : i32
      %mul3A_32 = arith.muli %scan3A_30, %mul3A_31 : i32
      %add3A_33 = arith.constant 0 : i32
      %add3A_34 = arith.addi %add3A_33, %mul3A_32 : i32
      %dma_start3A = arith.constant 0 : i32
      %dma_start3A_35 = tpu.memref_slice %arg8[%add3A_34, %dma_start3A] : memref<80x128xi32, #tpu.memory_space<vmem>> -> memref<1x128xi32, #tpu.memory_space<vmem>>
      %dma_start3A_36 = tpu.memref_squeeze %dma_start3A_35 : memref<1x128xi32, #tpu.memory_space<vmem>> -> memref<128xi32, #tpu.memory_space<vmem>>
      %dma_start3A_37 = arith.constant 0 : i32
      %dma_start3A_38 = tpu.memref_slice %arg2[%dma_start3A_37] : memref<10112xf32, #tpu.memory_space<hbm>> -> memref<10112xf32, #tpu.memory_space<hbm>>
      tpu.enqueue_indirect_dma source(%dma_start3A_38 : memref<10112xf32, #tpu.memory_space<hbm>>) target(%arg11 : memref<128xf32, #tpu.memory_space<vmem>>) offsets(%dma_start3A_36 : memref<128xi32, #tpu.memory_space<vmem>>) semaphore(%arg16 : memref<!tpu.dma_semaphore, #tpu.memory_space<semaphore_mem>>)
      %dma_wait3A = arith.constant 0 : i32
      %dma_wait3A_39 = tpu.memref_slice %arg8[%add3A_34, %dma_wait3A] : memref<80x128xi32, #tpu.memory_space<vmem>> -> memref<1x128xi32, #tpu.memory_space<vmem>>
      %dma_wait3A_40 = tpu.memref_squeeze %dma_wait3A_39 : memref<1x128xi32, #tpu.memory_space<vmem>> -> memref<128xi32, #tpu.memory_space<vmem>>
      %dma_wait3A_41 = arith.constant 0 : i32
      %dma_wait3A_42 = tpu.memref_slice %arg2[%dma_wait3A_41] : memref<10112xf32, #tpu.memory_space<hbm>> -> memref<10112xf32, #tpu.memory_space<hbm>>
      tpu.wait_indirect_dma semaphore(%arg16 : memref<!tpu.dma_semaphore, #tpu.memory_space<semaphore_mem>>) src(%dma_wait3A_42 : memref<10112xf32, #tpu.memory_space<hbm>>) dst(%arg11 : memref<128xf32, #tpu.memory_space<vmem>>)
      %get3A = arith.constant 0 : index
      %get3A_43 = tpu.vector_load %arg11[%get3A] {strides = array<i32>} : memref<128xf32, #tpu.memory_space<vmem>>, vector<16xf32>,
      %get3A_44 = vector.shape_cast %get3A_43 : vector<16xf32> to vector<16xf32>
      %get3A_45 = arith.index_cast %add3A_34 : i32 to index
      %get3A_46 = arith.constant 0 : index
      %get3A_47 = tpu.vector_load %arg10[%get3A_45, %get3A_46] {strides = array<i32>} : memref<80x128xf32, #tpu.memory_space<vmem>>, vector<1x16xf32>,
      %get3A_48 = vector.shape_cast %get3A_47 : vector<1x16xf32> to vector<16xf32>
      %mul3A_49 = arith.mulf %get3A_44, %get3A_48 : vector<16xf32>
      %swap3A = arith.constant 0 : index
      %swap3A_50 = tpu.vector_load %arg12[%swap3A] {strides = array<i32>} : memref<128xf32, #tpu.memory_space<vmem>>, vector<16xf32>,
      %swap3A_51 = vector.shape_cast %swap3A_50 : vector<16xf32> to vector<16xf32>
      %swap3A_52 = vector.shape_cast %mul3A_49 : vector<16xf32> to vector<16xf32>
      tpu.vector_store %arg12[%swap3A], %swap3A_52 {strides = array<i32>} : memref<128xf32, #tpu.memory_space<vmem>>, vector<16xf32>,
      %get3A_53 = arith.constant 16 : index
      %get3A_54 = tpu.vector_load %arg11[%get3A_53] {strides = array<i32>} : memref<128xf32, #tpu.memory_space<vmem>>, vector<16xf32>,
      %get3A_55 = vector.shape_cast %get3A_54 : vector<16xf32> to vector<16xf32>
      %get3A_56 = arith.index_cast %add3A_34 : i32 to index
      %get3A_57 = arith.constant 16 : index
      %get3A_58 = tpu.vector_load %arg10[%get3A_56, %get3A_57] {strides = array<i32>} : memref<80x128xf32, #tpu.memory_space<vmem>>, vector<1x16xf32>,
      %get3A_59 = vector.shape_cast %get3A_58 : vector<1x16xf32> to vector<16xf32>
      %mul3A_60 = arith.mulf %get3A_55, %get3A_59 : vector<16xf32>
      %swap3A_61 = arith.constant 16 : index
      %swap3A_62 = tpu.vector_load %arg12[%swap3A_61] {strides = array<i32>} : memref<128xf32, #tpu.memory_space<vmem>>, vector<16xf32>,
      %swap3A_63 = vector.shape_cast %swap3A_62 : vector<16xf32> to vector<16xf32>
      %swap3A_64 = vector.shape_cast %mul3A_60 : vector<16xf32> to vector<16xf32>
      tpu.vector_store %arg12[%swap3A_61], %swap3A_64 {strides = array<i32>} : memref<128xf32, #tpu.memory_space<vmem>>, vector<16xf32>,
      %get3A_65 = arith.constant 32 : index
      %get3A_66 = tpu.vector_load %arg11[%get3A_65] {strides = array<i32>} : memref<128xf32, #tpu.memory_space<vmem>>, vector<16xf32>,
      %get3A_67 = vector.shape_cast %get3A_66 : vector<16xf32> to vector<16xf32>
      %get3A_68 = arith.index_cast %add3A_34 : i32 to index
      %get3A_69 = arith.constant 32 : index
      %get3A_70 = tpu.vector_load %arg10[%get3A_68, %get3A_69] {strides = array<i32>} : memref<80x128xf32, #tpu.memory_space<vmem>>, vector<1x16xf32>,
      %get3A_71 = vector.shape_cast %get3A_70 : vector<1x16xf32> to vector<16xf32>
      %mul3A_72 = arith.mulf %get3A_67, %get3A_71 : vector<16xf32>
      %swap3A_73 = arith.constant 32 : index
      %swap3A_74 = tpu.vector_load %arg12[%swap3A_73] {strides = array<i32>} : memref<128xf32, #tpu.memory_space<vmem>>, vector<16xf32>,
      %swap3A_75 = vector.shape_cast %swap3A_74 : vector<16xf32> to vector<16xf32>
      %swap3A_76 = vector.shape_cast %mul3A_72 : vector<16xf32> to vector<16xf32>
      tpu.vector_store %arg12[%swap3A_73], %swap3A_76 {strides = array<i32>} : memref<128xf32, #tpu.memory_space<vmem>>, vector<16xf32>,
      %get3A_77 = arith.constant 48 : index
      %get3A_78 = tpu.vector_load %arg11[%get3A_77] {strides = array<i32>} : memref<128xf32, #tpu.memory_space<vmem>>, vector<16xf32>,
      %get3A_79 = vector.shape_cast %get3A_78 : vector<16xf32> to vector<16xf32>
      %get3A_80 = arith.index_cast %add3A_34 : i32 to index
      %get3A_81 = arith.constant 48 : index
      %get3A_82 = tpu.vector_load %arg10[%get3A_80, %get3A_81] {strides = array<i32>} : memref<80x128xf32, #tpu.memory_space<vmem>>, vector<1x16xf32>,
      %get3A_83 = vector.shape_cast %get3A_82 : vector<1x16xf32> to vector<16xf32>
      %mul3A_84 = arith.mulf %get3A_79, %get3A_83 : vector<16xf32>
      %swap3A_85 = arith.constant 48 : index
      %swap3A_86 = tpu.vector_load %arg12[%swap3A_85] {strides = array<i32>} : memref<128xf32, #tpu.memory_space<vmem>>, vector<16xf32>,
      %swap3A_87 = vector.shape_cast %swap3A_86 : vector<16xf32> to vector<16xf32>
      %swap3A_88 = vector.shape_cast %mul3A_84 : vector<16xf32> to vector<16xf32>
      tpu.vector_store %arg12[%swap3A_85], %swap3A_88 {strides = array<i32>} : memref<128xf32, #tpu.memory_space<vmem>>, vector<16xf32>,
      %get3A_89 = arith.constant 64 : index
      %get3A_90 = tpu.vector_load %arg11[%get3A_89] {strides = array<i32>} : memref<128xf32, #tpu.memory_space<vmem>>, vector<16xf32>,
      %get3A_91 = vector.shape_cast %get3A_90 : vector<16xf32> to vector<16xf32>
      %get3A_92 = arith.index_cast %add3A_34 : i32 to index
      %get3A_93 = arith.constant 64 : index
      %get3A_94 = tpu.vector_load %arg10[%get3A_92, %get3A_93] {strides = array<i32>} : memref<80x128xf32, #tpu.memory_space<vmem>>, vector<1x16xf32>,
      %get3A_95 = vector.shape_cast %get3A_94 : vector<1x16xf32> to vector<16xf32>
      %mul3A_96 = arith.mulf %get3A_91, %get3A_95 : vector<16xf32>
      %swap3A_97 = arith.constant 64 : index
      %swap3A_98 = tpu.vector_load %arg12[%swap3A_97] {strides = array<i32>} : memref<128xf32, #tpu.memory_space<vmem>>, vector<16xf32>,
      %swap3A_99 = vector.shape_cast %swap3A_98 : vector<16xf32> to vector<16xf32>
      %swap3A_100 = vector.shape_cast %mul3A_96 : vector<16xf32> to vector<16xf32>
      tpu.vector_store %arg12[%swap3A_97], %swap3A_100 {strides = array<i32>} : memref<128xf32, #tpu.memory_space<vmem>>, vector<16xf32>,
      %get3A_101 = arith.constant 80 : index
      %get3A_102 = tpu.vector_load %arg11[%get3A_101] {strides = array<i32>} : memref<128xf32, #tpu.memory_space<vmem>>, vector<16xf32>,
      %get3A_103 = vector.shape_cast %get3A_102 : vector<16xf32> to vector<16xf32>
      %get3A_104 = arith.index_cast %add3A_34 : i32 to index
      %get3A_105 = arith.constant 80 : index
      %get3A_106 = tpu.vector_load %arg10[%get3A_104, %get3A_105] {strides = array<i32>} : memref<80x128xf32, #tpu.memory_space<vmem>>, vector<1x16xf32>,
      %get3A_107 = vector.shape_cast %get3A_106 : vector<1x16xf32> to vector<16xf32>
      %mul3A_108 = arith.mulf %get3A_103, %get3A_107 : vector<16xf32>
      %swap3A_109 = arith.constant 80 : index
      %swap3A_110 = tpu.vector_load %arg12[%swap3A_109] {strides = array<i32>} : memref<128xf32, #tpu.memory_space<vmem>>, vector<16xf32>,
      %swap3A_111 = vector.shape_cast %swap3A_110 : vector<16xf32> to vector<16xf32>
      %swap3A_112 = vector.shape_cast %mul3A_108 : vector<16xf32> to vector<16xf32>
      tpu.vector_store %arg12[%swap3A_109], %swap3A_112 {strides = array<i32>} : memref<128xf32, #tpu.memory_space<vmem>>, vector<16xf32>,
      %get3A_113 = arith.constant 96 : index
      %get3A_114 = tpu.vector_load %arg11[%get3A_113] {strides = array<i32>} : memref<128xf32, #tpu.memory_space<vmem>>, vector<16xf32>,
      %get3A_115 = vector.shape_cast %get3A_114 : vector<16xf32> to vector<16xf32>
      %get3A_116 = arith.index_cast %add3A_34 : i32 to index
      %get3A_117 = arith.constant 96 : index
      %get3A_118 = tpu.vector_load %arg10[%get3A_116, %get3A_117] {strides = array<i32>} : memref<80x128xf32, #tpu.memory_space<vmem>>, vector<1x16xf32>,
      %get3A_119 = vector.shape_cast %get3A_118 : vector<1x16xf32> to vector<16xf32>
      %mul3A_120 = arith.mulf %get3A_115, %get3A_119 : vector<16xf32>
      %swap3A_121 = arith.constant 96 : index
      %swap3A_122 = tpu.vector_load %arg12[%swap3A_121] {strides = array<i32>} : memref<128xf32, #tpu.memory_space<vmem>>, vector<16xf32>,
      %swap3A_123 = vector.shape_cast %swap3A_122 : vector<16xf32> to vector<16xf32>
      %swap3A_124 = vector.shape_cast %mul3A_120 : vector<16xf32> to vector<16xf32>
      tpu.vector_store %arg12[%swap3A_121], %swap3A_124 {strides = array<i32>} : memref<128xf32, #tpu.memory_space<vmem>>, vector<16xf32>,
      %get3A_125 = arith.constant 112 : index
      %get3A_126 = tpu.vector_load %arg11[%get3A_125] {strides = array<i32>} : memref<128xf32, #tpu.memory_space<vmem>>, vector<16xf32>,
      %get3A_127 = vector.shape_cast %get3A_126 : vector<16xf32> to vector<16xf32>
      %get3A_128 = arith.index_cast %add3A_34 : i32 to index
      %get3A_129 = arith.constant 112 : index
      %get3A_130 = tpu.vector_load %arg10[%get3A_128, %get3A_129] {strides = array<i32>} : memref<80x128xf32, #tpu.memory_space<vmem>>, vector<1x16xf32>,
      %get3A_131 = vector.shape_cast %get3A_130 : vector<1x16xf32> to vector<16xf32>
      %mul3A_132 = arith.mulf %get3A_127, %get3A_131 : vector<16xf32>
      %swap3A_133 = arith.constant 112 : index
      %swap3A_134 = tpu.vector_load %arg12[%swap3A_133] {strides = array<i32>} : memref<128xf32, #tpu.memory_space<vmem>>, vector<16xf32>,
      %swap3A_135 = vector.shape_cast %swap3A_134 : vector<16xf32> to vector<16xf32>
      %swap3A_136 = vector.shape_cast %mul3A_132 : vector<16xf32> to vector<16xf32>
      tpu.vector_store %arg12[%swap3A_133], %swap3A_136 {strides = array<i32>} : memref<128xf32, #tpu.memory_space<vmem>>, vector<16xf32>,
      "tpu.region"() ({
        %run_scoped3A = tpu.sem_alloc : memref<!tpu.dma_semaphore, #tpu.memory_space<semaphore_mem>>
        %dma_start3A_137 = arith.constant 0 : i32
        %dma_start3A_138 = tpu.memref_slice %arg10[%add3A_34, %dma_start3A_137] : memref<80x128xf32, #tpu.memory_space<vmem>> -> memref<1x128xf32, #tpu.memory_space<vmem>>
        %dma_start3A_139 = tpu.memref_squeeze %dma_start3A_138 : memref<1x128xf32, #tpu.memory_space<vmem>> -> memref<128xf32, #tpu.memory_space<vmem>>
        %dma_start3A_140 = arith.constant 0 : i32
        %dma_start3A_141 = tpu.memref_slice %arg9[%add3A_34, %dma_start3A_140] : memref<80x128xi32, #tpu.memory_space<vmem>> -> memref<1x128xi32, #tpu.memory_space<vmem>>
        %dma_start3A_142 = tpu.memref_squeeze %dma_start3A_141 : memref<1x128xi32, #tpu.memory_space<vmem>> -> memref<128xi32, #tpu.memory_space<vmem>>
        %dma_start3A_143 = arith.constant 0 : i32
        %dma_start3A_144 = tpu.memref_slice %arg14[%dma_start3A_143] : memref<10112xf32, #tpu.memory_space<vmem_shared>> -> memref<10112xf32, #tpu.memory_space<vmem_shared>>
        tpu.enqueue_indirect_dma source(%dma_start3A_139 : memref<128xf32, #tpu.memory_space<vmem>>) target(%dma_start3A_144 : memref<10112xf32, #tpu.memory_space<vmem_shared>>) offsets(%dma_start3A_142 : memref<128xi32, #tpu.memory_space<vmem>>) semaphore(%run_scoped3A : memref<!tpu.dma_semaphore, #tpu.memory_space<semaphore_mem>>) {add = true}
        %dma_wait3A_145 = arith.constant 0 : i32
        %dma_wait3A_146 = tpu.memref_slice %arg10[%add3A_34, %dma_wait3A_145] : memref<80x128xf32, #tpu.memory_space<vmem>> -> memref<1x128xf32, #tpu.memory_space<vmem>>
        %dma_wait3A_147 = tpu.memref_squeeze %dma_wait3A_146 : memref<1x128xf32, #tpu.memory_space<vmem>> -> memref<128xf32, #tpu.memory_space<vmem>>
        %dma_wait3A_148 = arith.constant 0 : i32
        %dma_wait3A_149 = tpu.memref_slice %arg9[%add3A_34, %dma_wait3A_148] : memref<80x128xi32, #tpu.memory_space<vmem>> -> memref<1x128xi32, #tpu.memory_space<vmem>>
        %dma_wait3A_150 = tpu.memref_squeeze %dma_wait3A_149 : memref<1x128xi32, #tpu.memory_space<vmem>> -> memref<128xi32, #tpu.memory_space<vmem>>
        %dma_wait3A_151 = arith.constant 0 : i32
        %dma_wait3A_152 = tpu.memref_slice %arg14[%dma_wait3A_151] : memref<10112xf32, #tpu.memory_space<vmem_shared>> -> memref<10112xf32, #tpu.memory_space<vmem_shared>>
        tpu.wait_indirect_dma semaphore(%run_scoped3A : memref<!tpu.dma_semaphore, #tpu.memory_space<semaphore_mem>>) src(%dma_wait3A_147 : memref<128xf32, #tpu.memory_space<vmem>>) dst(%dma_wait3A_152 : memref<10112xf32, #tpu.memory_space<vmem_shared>>)
        tpu.yield
      }) : () -> ()
      "tpu.region"() ({
        %run_scoped3A = tpu.sem_alloc : memref<!tpu.dma_semaphore, #tpu.memory_space<semaphore_mem>>
        %dma_start3A_137 = arith.constant 0 : i32
        %dma_start3A_138 = tpu.memref_slice %arg9[%add3A_34, %dma_start3A_137] : memref<80x128xi32, #tpu.memory_space<vmem>> -> memref<1x128xi32, #tpu.memory_space<vmem>>
        %dma_start3A_139 = tpu.memref_squeeze %dma_start3A_138 : memref<1x128xi32, #tpu.memory_space<vmem>> -> memref<128xi32, #tpu.memory_space<vmem>>
        %dma_start3A_140 = arith.constant 0 : i32
        %dma_start3A_141 = tpu.memref_slice %arg15[%dma_start3A_140] : memref<10112xf32, #tpu.memory_space<vmem_shared>> -> memref<10112xf32, #tpu.memory_space<vmem_shared>>
        tpu.enqueue_indirect_dma source(%arg12 : memref<128xf32, #tpu.memory_space<vmem>>) target(%dma_start3A_141 : memref<10112xf32, #tpu.memory_space<vmem_shared>>) offsets(%dma_start3A_139 : memref<128xi32, #tpu.memory_space<vmem>>) semaphore(%run_scoped3A : memref<!tpu.dma_semaphore, #tpu.memory_space<semaphore_mem>>) {add = true}
        %dma_wait3A_142 = arith.constant 0 : i32
        %dma_wait3A_143 = tpu.memref_slice %arg9[%add3A_34, %dma_wait3A_142] : memref<80x128xi32, #tpu.memory_space<vmem>> -> memref<1x128xi32, #tpu.memory_space<vmem>>
        %dma_wait3A_144 = tpu.memref_squeeze %dma_wait3A_143 : memref<1x128xi32, #tpu.memory_space<vmem>> -> memref<128xi32, #tpu.memory_space<vmem>>
        %dma_wait3A_145 = arith.constant 0 : i32
        %dma_wait3A_146 = tpu.memref_slice %arg15[%dma_wait3A_145] : memref<10112xf32, #tpu.memory_space<vmem_shared>> -> memref<10112xf32, #tpu.memory_space<vmem_shared>>
        tpu.wait_indirect_dma semaphore(%run_scoped3A : memref<!tpu.dma_semaphore, #tpu.memory_space<semaphore_mem>>) src(%arg12 : memref<128xf32, #tpu.memory_space<vmem>>) dst(%dma_wait3A_146 : memref<10112xf32, #tpu.memory_space<vmem_shared>>)
        tpu.yield
      }) : () -> ()
    }
    %scan3A_14 = arith.constant 80 : i32
    %barrier3A_15 = arith.constant 0 : index
    tpu.barrier barrier_id(%barrier3A_15)
    %mul3A_16 = arith.constant 632 : i32
    %mul3A_17 = arith.muli %arg1, %mul3A_16 : i32
    "tpu.region"() ({
      %run_scoped3A = tpu.sem_alloc : memref<!tpu.dma_semaphore, #tpu.memory_space<semaphore_mem>>
      %dma_start3A = arith.constant 0 : i32
      %dma_start3A_30 = tpu.memref_slice %arg13[%dma_start3A] : memref<640xf32, #tpu.memory_space<vmem>> -> memref<632xf32, #tpu.memory_space<vmem>>
      %dma_start3A_31 = tpu.memref_slice %arg14[%mul3A_17] : memref<10112xf32, #tpu.memory_space<vmem_shared>> -> memref<632xf32, #tpu.memory_space<vmem_shared>>
      %dma_start3A_32 = arith.constant 0 : i32
      %dma_start3A_33 = tpu.memref_slice %arg13[%dma_start3A_32] : memref<640xf32, #tpu.memory_space<vmem>> -> memref<632xf32, #tpu.memory_space<vmem>>
      %dma_start3A_34 = tpu.memref_slice %arg14[%mul3A_17] : memref<10112xf32, #tpu.memory_space<vmem_shared>> -> memref<632xf32, #tpu.memory_space<vmem_shared>>
      tpu.enqueue_dma source(%dma_start3A_34 : memref<632xf32, #tpu.memory_space<vmem_shared>>) target(%dma_start3A_33 : memref<632xf32, #tpu.memory_space<vmem>>) target_semaphore(%run_scoped3A : memref<!tpu.dma_semaphore, #tpu.memory_space<semaphore_mem>>)
      %dma_wait3A = arith.constant 0 : i32
      %dma_wait3A_35 = tpu.memref_slice %arg13[%dma_wait3A] : memref<640xf32, #tpu.memory_space<vmem>> -> memref<632xf32, #tpu.memory_space<vmem>>
      %dma_wait3A_36 = tpu.memref_slice %arg14[%mul3A_17] : memref<10112xf32, #tpu.memory_space<vmem_shared>> -> memref<632xf32, #tpu.memory_space<vmem_shared>>
      %dma_wait3A_37 = arith.constant 0 : i32
      %dma_wait3A_38 = tpu.memref_slice %arg13[%dma_wait3A_37] : memref<640xf32, #tpu.memory_space<vmem>> -> memref<632xf32, #tpu.memory_space<vmem>>
      %dma_wait3A_39 = tpu.memref_slice %arg14[%mul3A_17] : memref<10112xf32, #tpu.memory_space<vmem_shared>> -> memref<632xf32, #tpu.memory_space<vmem_shared>>
      tpu.wait_dma2 semaphore(%run_scoped3A : memref<!tpu.dma_semaphore, #tpu.memory_space<semaphore_mem>>) src(%dma_wait3A_39 : memref<632xf32, #tpu.memory_space<vmem_shared>>) dst(%dma_wait3A_38 : memref<632xf32, #tpu.memory_space<vmem>>)
      tpu.yield
    }) : () -> ()
    %mul3A_18 = arith.constant 10112 : i32
    %mul3A_19 = arith.muli %arg0, %mul3A_18 : i32
    %mul3A_20 = arith.constant 632 : i32
    %mul3A_21 = arith.muli %arg1, %mul3A_20 : i32
    %add3A_22 = arith.addi %mul3A_19, %mul3A_21 : i32
    "tpu.region"() ({
      %run_scoped3A = tpu.sem_alloc : memref<!tpu.dma_semaphore, #tpu.memory_space<semaphore_mem>>
      %dma_start3A = arith.constant 0 : i32
      %dma_start3A_30 = tpu.memref_slice %arg13[%dma_start3A] : memref<640xf32, #tpu.memory_space<vmem>> -> memref<632xf32, #tpu.memory_space<vmem>>
      %dma_start3A_31 = tpu.memref_slice %arg6[%add3A_22] : memref<20224xf32, #tpu.memory_space<hbm>> -> memref<632xf32, #tpu.memory_space<hbm>>
      %dma_start3A_32 = tpu.memref_slice %arg6[%add3A_22] : memref<20224xf32, #tpu.memory_space<hbm>> -> memref<632xf32, #tpu.memory_space<hbm>>
      %dma_start3A_33 = arith.constant 0 : i32
      %dma_start3A_34 = tpu.memref_slice %arg13[%dma_start3A_33] : memref<640xf32, #tpu.memory_space<vmem>> -> memref<632xf32, #tpu.memory_space<vmem>>
      tpu.enqueue_dma source(%dma_start3A_34 : memref<632xf32, #tpu.memory_space<vmem>>) target(%dma_start3A_32 : memref<632xf32, #tpu.memory_space<hbm>>) target_semaphore(%run_scoped3A : memref<!tpu.dma_semaphore, #tpu.memory_space<semaphore_mem>>)
      %dma_wait3A = arith.constant 0 : i32
      %dma_wait3A_35 = tpu.memref_slice %arg13[%dma_wait3A] : memref<640xf32, #tpu.memory_space<vmem>> -> memref<632xf32, #tpu.memory_space<vmem>>
      %dma_wait3A_36 = tpu.memref_slice %arg6[%add3A_22] : memref<20224xf32, #tpu.memory_space<hbm>> -> memref<632xf32, #tpu.memory_space<hbm>>
      %dma_wait3A_37 = tpu.memref_slice %arg6[%add3A_22] : memref<20224xf32, #tpu.memory_space<hbm>> -> memref<632xf32, #tpu.memory_space<hbm>>
      %dma_wait3A_38 = arith.constant 0 : i32
      %dma_wait3A_39 = tpu.memref_slice %arg13[%dma_wait3A_38] : memref<640xf32, #tpu.memory_space<vmem>> -> memref<632xf32, #tpu.memory_space<vmem>>
      tpu.wait_dma2 semaphore(%run_scoped3A : memref<!tpu.dma_semaphore, #tpu.memory_space<semaphore_mem>>) src(%dma_wait3A_39 : memref<632xf32, #tpu.memory_space<vmem>>) dst(%dma_wait3A_37 : memref<632xf32, #tpu.memory_space<hbm>>)
      tpu.yield
    }) : () -> ()
    %mul3A_23 = arith.constant 632 : i32
    %mul3A_24 = arith.muli %arg1, %mul3A_23 : i32
    "tpu.region"() ({
      %run_scoped3A = tpu.sem_alloc : memref<!tpu.dma_semaphore, #tpu.memory_space<semaphore_mem>>
      %dma_start3A = arith.constant 0 : i32
      %dma_start3A_30 = tpu.memref_slice %arg13[%dma_start3A] : memref<640xf32, #tpu.memory_space<vmem>> -> memref<632xf32, #tpu.memory_space<vmem>>
      %dma_start3A_31 = tpu.memref_slice %arg15[%mul3A_24] : memref<10112xf32, #tpu.memory_space<vmem_shared>> -> memref<632xf32, #tpu.memory_space<vmem_shared>>
      %dma_start3A_32 = arith.constant 0 : i32
      %dma_start3A_33 = tpu.memref_slice %arg13[%dma_start3A_32] : memref<640xf32, #tpu.memory_space<vmem>> -> memref<632xf32, #tpu.memory_space<vmem>>
      %dma_start3A_34 = tpu.memref_slice %arg15[%mul3A_24] : memref<10112xf32, #tpu.memory_space<vmem_shared>> -> memref<632xf32, #tpu.memory_space<vmem_shared>>
      tpu.enqueue_dma source(%dma_start3A_34 : memref<632xf32, #tpu.memory_space<vmem_shared>>) target(%dma_start3A_33 : memref<632xf32, #tpu.memory_space<vmem>>) target_semaphore(%run_scoped3A : memref<!tpu.dma_semaphore, #tpu.memory_space<semaphore_mem>>)
      %dma_wait3A = arith.constant 0 : i32
      %dma_wait3A_35 = tpu.memref_slice %arg13[%dma_wait3A] : memref<640xf32, #tpu.memory_space<vmem>> -> memref<632xf32, #tpu.memory_space<vmem>>
      %dma_wait3A_36 = tpu.memref_slice %arg15[%mul3A_24] : memref<10112xf32, #tpu.memory_space<vmem_shared>> -> memref<632xf32, #tpu.memory_space<vmem_shared>>
      %dma_wait3A_37 = arith.constant 0 : i32
      %dma_wait3A_38 = tpu.memref_slice %arg13[%dma_wait3A_37] : memref<640xf32, #tpu.memory_space<vmem>> -> memref<632xf32, #tpu.memory_space<vmem>>
      %dma_wait3A_39 = tpu.memref_slice %arg15[%mul3A_24] : memref<10112xf32, #tpu.memory_space<vmem_shared>> -> memref<632xf32, #tpu.memory_space<vmem_shared>>
      tpu.wait_dma2 semaphore(%run_scoped3A : memref<!tpu.dma_semaphore, #tpu.memory_space<semaphore_mem>>) src(%dma_wait3A_39 : memref<632xf32, #tpu.memory_space<vmem_shared>>) dst(%dma_wait3A_38 : memref<632xf32, #tpu.memory_space<vmem>>)
      tpu.yield
    }) : () -> ()
    %mul3A_25 = arith.constant 10112 : i32
    %mul3A_26 = arith.muli %arg0, %mul3A_25 : i32
    %mul3A_27 = arith.constant 632 : i32
    %mul3A_28 = arith.muli %arg1, %mul3A_27 : i32
    %add3A_29 = arith.addi %mul3A_26, %mul3A_28 : i32
    "tpu.region"() ({
      %run_scoped3A = tpu.sem_alloc : memref<!tpu.dma_semaphore, #tpu.memory_space<semaphore_mem>>
      %dma_start3A = arith.constant 0 : i32
      %dma_start3A_30 = tpu.memref_slice %arg13[%dma_start3A] : memref<640xf32, #tpu.memory_space<vmem>> -> memref<632xf32, #tpu.memory_space<vmem>>
      %dma_start3A_31 = tpu.memref_slice %arg7[%add3A_29] : memref<20224xf32, #tpu.memory_space<hbm>> -> memref<632xf32, #tpu.memory_space<hbm>>
      %dma_start3A_32 = tpu.memref_slice %arg7[%add3A_29] : memref<20224xf32, #tpu.memory_space<hbm>> -> memref<632xf32, #tpu.memory_space<hbm>>
      %dma_start3A_33 = arith.constant 0 : i32
      %dma_start3A_34 = tpu.memref_slice %arg13[%dma_start3A_33] : memref<640xf32, #tpu.memory_space<vmem>> -> memref<632xf32, #tpu.memory_space<vmem>>
      tpu.enqueue_dma source(%dma_start3A_34 : memref<632xf32, #tpu.memory_space<vmem>>) target(%dma_start3A_32 : memref<632xf32, #tpu.memory_space<hbm>>) target_semaphore(%run_scoped3A : memref<!tpu.dma_semaphore, #tpu.memory_space<semaphore_mem>>)
      %dma_wait3A = arith.constant 0 : i32
      %dma_wait3A_35 = tpu.memref_slice %arg13[%dma_wait3A] : memref<640xf32, #tpu.memory_space<vmem>> -> memref<632xf32, #tpu.memory_space<vmem>>
      %dma_wait3A_36 = tpu.memref_slice %arg7[%add3A_29] : memref<20224xf32, #tpu.memory_space<hbm>> -> memref<632xf32, #tpu.memory_space<hbm>>
      %dma_wait3A_37 = tpu.memref_slice %arg7[%add3A_29] : memref<20224xf32, #tpu.memory_space<hbm>> -> memref<632xf32, #tpu.memory_space<hbm>>
      %dma_wait3A_38 = arith.constant 0 : i32
      %dma_wait3A_39 = tpu.memref_slice %arg13[%dma_wait3A_38] : memref<640xf32, #tpu.memory_space<vmem>> -> memref<632xf32, #tpu.memory_space<vmem>>
      tpu.wait_dma2 semaphore(%run_scoped3A : memref<!tpu.dma_semaphore, #tpu.memory_space<semaphore_mem>>) src(%dma_wait3A_39 : memref<632xf32, #tpu.memory_space<vmem>>) dst(%dma_wait3A_37 : memref<632xf32, #tpu.memory_space<hbm>>)
      tpu.yield
    }) : () -> ()
    return
  }
}

module attributes {stable_mosaic.version = 14 : i64} {
  func.func @_tca_body(%arg0: memref<10112x128xf32, #tpu.memory_space<vmem>>, %arg1: memref<128x2xf32, #tpu.memory_space<vmem>>, %arg2: memref<10112x1xf32, #tpu.memory_space<vmem>>, %arg3: memref<10112x1xf32, #tpu.memory_space<vmem>>) attributes {dimension_semantics = [], scalar_prefetch = 0 : i64, scratch_operands = 0 : i64, tpu.core_type = #tpu.core_type<tc>} {
    %get3A = arith.constant 0 : index
    %get3A_0 = arith.constant 0 : index
    %get3A_1 = vector.load %arg0[%get3A, %get3A_0] : memref<10112x128xf32, #tpu.memory_space<vmem>>, vector<10112x128xf32>
    %get3A_2 = arith.constant 0 : index
    %get3A_3 = arith.constant 0 : index
    %get3A_4 = vector.load %arg1[%get3A_2, %get3A_3] : memref<128x2xf32, #tpu.memory_space<vmem>>, vector<128x2xf32>
    %dot_general3A = arith.constant dense<0.000000e+00> : vector<10112x2xf32>
    %dot_general3A_5 = tpu.matmul %get3A_1, %get3A_4, %dot_general3A {dimension_numbers = #tpu.dot_dimension_numbers<[1], [0], [0], [1], [0, 0, 1, 1], [], []>, transpose_lhs_hint = false} : vector<10112x128xf32>, vector<128x2xf32>, vector<10112x2xf32> -> vector<10112x2xf32>
    %slice3A = vector.extract_strided_slice %dot_general3A_5 {offsets = [0, 0], sizes = [10112, 1], strides = [1, 1]} : vector<10112x2xf32> to vector<10112x1xf32>
    %swap3A = arith.constant 0 : index
    %swap3A_6 = arith.constant 0 : index
    %swap3A_7 = vector.load %arg2[%swap3A, %swap3A_6] : memref<10112x1xf32, #tpu.memory_space<vmem>>, vector<10112x1xf32>
    tpu.vector_store %arg2[%swap3A, %swap3A_6], %slice3A {strides = array<i32>} : memref<10112x1xf32, #tpu.memory_space<vmem>>, vector<10112x1xf32>,
    %slice3A_8 = vector.extract_strided_slice %dot_general3A_5 {offsets = [0, 1], sizes = [10112, 1], strides = [1, 1]} : vector<10112x2xf32> to vector<10112x1xf32>
    %swap3A_9 = arith.constant 0 : index
    %swap3A_10 = arith.constant 0 : index
    %swap3A_11 = vector.load %arg3[%swap3A_9, %swap3A_10] : memref<10112x1xf32, #tpu.memory_space<vmem>>, vector<10112x1xf32>
    tpu.vector_store %arg3[%swap3A_9, %swap3A_10], %slice3A_8 {strides = array<i32>} : memref<10112x1xf32, #tpu.memory_space<vmem>>, vector<10112x1xf32>,
    return
  }
}

module attributes {stable_mosaic.version = 14 : i64} {
  func.func @_tcb_body(%arg0: memref<2x10112x1xf32, #tpu.memory_space<vmem>>, %arg1: memref<2x10112x1xf32, #tpu.memory_space<vmem>>, %arg2: memref<10112x1xf32, #tpu.memory_space<vmem>>, %arg3: memref<10112x128xf32, #tpu.memory_space<vmem>>, %arg4: memref<10112x128xf32, #tpu.memory_space<vmem>>, %arg5: memref<10112x1xf32, #tpu.memory_space<vmem>>) attributes {dimension_semantics = [], scalar_prefetch = 0 : i64, scratch_operands = 0 : i64, tpu.core_type = #tpu.core_type<tc>} {
    %get3A = arith.constant 0 : index
    %get3A_0 = arith.constant 0 : index
    %get3A_1 = arith.constant 0 : index
    %get3A_2 = vector.load %arg0[%get3A, %get3A_0, %get3A_1] : memref<2x10112x1xf32, #tpu.memory_space<vmem>>, vector<1x10112x1xf32>
    %get3A_3 = vector.shape_cast %get3A_2 : vector<1x10112x1xf32> to vector<10112x1xf32>
    %get3A_4 = arith.constant 1 : index
    %get3A_5 = arith.constant 0 : index
    %get3A_6 = arith.constant 0 : index
    %get3A_7 = vector.load %arg0[%get3A_4, %get3A_5, %get3A_6] : memref<2x10112x1xf32, #tpu.memory_space<vmem>>, vector<1x10112x1xf32>
    %get3A_8 = vector.shape_cast %get3A_7 : vector<1x10112x1xf32> to vector<10112x1xf32>
    %add3A = arith.addf %get3A_3, %get3A_8 : vector<10112x1xf32>
    %get3A_9 = arith.constant 0 : index
    %get3A_10 = arith.constant 0 : index
    %get3A_11 = arith.constant 0 : index
    %get3A_12 = vector.load %arg1[%get3A_9, %get3A_10, %get3A_11] : memref<2x10112x1xf32, #tpu.memory_space<vmem>>, vector<1x10112x1xf32>
    %get3A_13 = vector.shape_cast %get3A_12 : vector<1x10112x1xf32> to vector<10112x1xf32>
    %get3A_14 = arith.constant 1 : index
    %get3A_15 = arith.constant 0 : index
    %get3A_16 = arith.constant 0 : index
    %get3A_17 = vector.load %arg1[%get3A_14, %get3A_15, %get3A_16] : memref<2x10112x1xf32, #tpu.memory_space<vmem>>, vector<1x10112x1xf32>
    %get3A_18 = vector.shape_cast %get3A_17 : vector<1x10112x1xf32> to vector<10112x1xf32>
    %add3A_19 = arith.addf %get3A_13, %get3A_18 : vector<10112x1xf32>
    %get3A_20 = arith.constant 0 : index
    %get3A_21 = arith.constant 0 : index
    %get3A_22 = vector.load %arg2[%get3A_20, %get3A_21] : memref<10112x1xf32, #tpu.memory_space<vmem>>, vector<10112x1xf32>
    %mul3A = arith.mulf %get3A_22, %add3A : vector<10112x1xf32>
    %add3A_23 = arith.addf %add3A_19, %mul3A : vector<10112x1xf32>
    %iota3A = tpu.iota {dimensions = array<i32: 0>} : vector<10112x1xi32>
    %lt3A = arith.constant 10000 : i32
    %lt3A_24 = vector.broadcast %lt3A : i32 to vector<10112x1xi32>
    %lt3A_25 = arith.cmpi slt, %iota3A, %lt3A_24 : vector<10112x1xi32>
    %broadcast_in_dim3A = arith.constant 0xFF800000 : f32
    %broadcast_in_dim3A_26 = vector.broadcast %broadcast_in_dim3A : f32 to vector<10112x1xf32>
    %select_n3A = arith.select %lt3A_25, %add3A_23, %broadcast_in_dim3A_26 : vector<10112x1xi1>, vector<10112x1xf32>
    %reduce_max3A = vector.shape_cast %select_n3A : vector<10112x1xf32> to vector<1x10112x1xf32>
    %reduce_max3A_27 = arith.constant dense<0xFF800000> : vector<1xf32>
    %reduce_max3A_28 = vector.multi_reduction <maximumf>, %reduce_max3A, %reduce_max3A_27 [1, 2] : vector<1x10112x1xf32> to vector<1xf32>
    %reduce_max3A_29 = vector.shape_cast %reduce_max3A_28 : vector<1xf32> to vector<1x1x1xf32>
    %reduce_max3A_30 = vector.extract %reduce_max3A_29[0, 0, 0] : f32 from vector<1x1x1xf32>
    %sub3A = vector.broadcast %reduce_max3A_30 : f32 to vector<10112x1xf32>
    %sub3A_31 = arith.subf %add3A_23, %sub3A : vector<10112x1xf32>
    %exp3A = math.exp %sub3A_31 : vector<10112x1xf32>
    %broadcast_in_dim3A_32 = arith.constant 0.000000e+00 : f32
    %broadcast_in_dim3A_33 = vector.broadcast %broadcast_in_dim3A_32 : f32 to vector<10112x1xf32>
    %select_n3A_34 = arith.select %lt3A_25, %exp3A, %broadcast_in_dim3A_33 : vector<10112x1xi1>, vector<10112x1xf32>
    %get3A_35 = arith.constant 0 : index
    %get3A_36 = arith.constant 0 : index
    %get3A_37 = vector.load %arg3[%get3A_35, %get3A_36] : memref<10112x128xf32, #tpu.memory_space<vmem>>, vector<10112x128xf32>
    %mul3A_38 = vector.broadcast %select_n3A_34 : vector<10112x1xf32> to vector<10112x128xf32>
    %mul3A_39 = arith.mulf %mul3A_38, %get3A_37 : vector<10112x128xf32>
    %swap3A = arith.constant 0 : index
    %swap3A_40 = arith.constant 0 : index
    %swap3A_41 = vector.load %arg4[%swap3A, %swap3A_40] : memref<10112x128xf32, #tpu.memory_space<vmem>>, vector<10112x128xf32>
    tpu.vector_store %arg4[%swap3A, %swap3A_40], %mul3A_39 {strides = array<i32>} : memref<10112x128xf32, #tpu.memory_space<vmem>>, vector<10112x128xf32>,
    %swap3A_42 = arith.constant 0 : index
    %swap3A_43 = arith.constant 0 : index
    %swap3A_44 = vector.load %arg5[%swap3A_42, %swap3A_43] : memref<10112x1xf32, #tpu.memory_space<vmem>>, vector<10112x1xf32>
    tpu.vector_store %arg5[%swap3A_42, %swap3A_43], %select_n3A_34 {strides = array<i32>} : memref<10112x1xf32, #tpu.memory_space<vmem>>, vector<10112x1xf32>,
    return
  }
}

module attributes {stable_mosaic.version = 14 : i64} {
  func.func @_tcc_body(%arg0: memref<2x10112x128xf32, #tpu.memory_space<vmem>>, %arg1: memref<2x10112x1xf32, #tpu.memory_space<vmem>>, %arg2: memref<10000x128xf32, #tpu.memory_space<vmem>>) attributes {dimension_semantics = [], scalar_prefetch = 0 : i64, scratch_operands = 0 : i64, tpu.core_type = #tpu.core_type<tc>} {
    %get3A = arith.constant 0 : index
    %get3A_0 = arith.constant 0 : index
    %get3A_1 = arith.constant 0 : index
    %get3A_2 = vector.load %arg0[%get3A, %get3A_0, %get3A_1] : memref<2x10112x128xf32, #tpu.memory_space<vmem>>, vector<1x10000x128xf32>
    %get3A_3 = vector.shape_cast %get3A_2 : vector<1x10000x128xf32> to vector<10000x128xf32>
    %get3A_4 = arith.constant 1 : index
    %get3A_5 = arith.constant 0 : index
    %get3A_6 = arith.constant 0 : index
    %get3A_7 = vector.load %arg0[%get3A_4, %get3A_5, %get3A_6] : memref<2x10112x128xf32, #tpu.memory_space<vmem>>, vector<1x10000x128xf32>
    %get3A_8 = vector.shape_cast %get3A_7 : vector<1x10000x128xf32> to vector<10000x128xf32>
    %add3A = arith.addf %get3A_3, %get3A_8 : vector<10000x128xf32>
    %get3A_9 = arith.constant 0 : index
    %get3A_10 = arith.constant 0 : index
    %get3A_11 = arith.constant 0 : index
    %get3A_12 = vector.load %arg1[%get3A_9, %get3A_10, %get3A_11] : memref<2x10112x1xf32, #tpu.memory_space<vmem>>, vector<1x10000x1xf32>
    %get3A_13 = vector.shape_cast %get3A_12 : vector<1x10000x1xf32> to vector<10000x1xf32>
    %get3A_14 = arith.constant 1 : index
    %get3A_15 = arith.constant 0 : index
    %get3A_16 = arith.constant 0 : index
    %get3A_17 = vector.load %arg1[%get3A_14, %get3A_15, %get3A_16] : memref<2x10112x1xf32, #tpu.memory_space<vmem>>, vector<1x10000x1xf32>
    %get3A_18 = vector.shape_cast %get3A_17 : vector<1x10000x1xf32> to vector<10000x1xf32>
    %add3A_19 = arith.addf %get3A_13, %get3A_18 : vector<10000x1xf32>
    %add3A_20 = arith.constant 9.99999971E-10 : f32
    %add3A_21 = vector.broadcast %add3A_20 : f32 to vector<10000x1xf32>
    %add3A_22 = arith.addf %add3A_19, %add3A_21 : vector<10000x1xf32>
    %div3A = vector.broadcast %add3A_22 : vector<10000x1xf32> to vector<10000x128xf32>
    %div3A_23 = arith.divf %add3A, %div3A : vector<10000x128xf32>
    %gt3A = arith.constant 0.000000e+00 : f32
    %gt3A_24 = vector.broadcast %gt3A : f32 to vector<10000x128xf32>
    %gt3A_25 = arith.cmpf ogt, %div3A_23, %gt3A_24 : vector<10000x128xf32>
    %exp3A = math.exp %div3A_23 : vector<10000x128xf32>
    %sub3A = arith.constant 1.000000e+00 : f32
    %sub3A_26 = vector.broadcast %sub3A : f32 to vector<10000x128xf32>
    %sub3A_27 = arith.subf %exp3A, %sub3A_26 : vector<10000x128xf32>
    %select_n3A = arith.select %gt3A_25, %div3A_23, %sub3A_27 : vector<10000x128xi1>, vector<10000x128xf32>
    %swap3A = arith.constant 0 : index
    %swap3A_28 = arith.constant 0 : index
    %swap3A_29 = vector.load %arg2[%swap3A, %swap3A_28] : memref<10000x128xf32, #tpu.memory_space<vmem>>, vector<10000x128xf32>
    tpu.vector_store %arg2[%swap3A, %swap3A_28], %select_n3A {strides = array<i32>} : memref<10000x128xf32, #tpu.memory_space<vmem>>, vector<10000x128xf32>,
    return
  }
}

</mosaic_0001>

<sc_bundles>
// kernel: _run.10.cloned.1.call-start
scs
__scs_entry_jumppad:
0x0: {  	(pc) =	sbr.rel $0x88, $3  }
0x1: {  	(tag) =	ssettag $0x0;
	lr =	simm.s32 $0x1  }
0x2: {  	[smem:$0x3F9C] =	sst lr;
	_ =	strace $0xD0000000  }
0x3: {  	_ = 	snop  }
0x4: {  	_ = 	snop  }
0x5: {  	_ = 	snop  }
0x6: {  	_ = 	snop  }
0x7: {  	_ = 	snop  }
__scs_overlays_trampoline_lowered:
0x8: {  	[smem:$0x3FAB] =	sst s0  }
0x9: {  	[smem:$0x3FAC] =	sst s1  }
0xa: {  	[smem:$0x3FAD] =	sst s2  }
0xb: {  	[smem:$0x3FAE] =	sst s3  }
0xc: {  	[smem:$0x3FAF] =	sst s4  }
0xd: {  	[smem:$0x3FB0] =	sst s5  }
0xe: {  	[smem:$0x3FB1] =	sst s6  }
0xf: {  	[smem:$0x3FB2] =	sst s7  }
0x10: {  	[smem:$0x3FB3] =	sst s8  }
0x11: {  	[smem:$0x3FB4] =	sst s9;
	s0 =	simm.s32 @!p0 $0x0  }
0x12: {  	s1 =	sld [smem:$0x3F9A];
	s0 =	simm.s32 @p0 $0x1  }
0x13: {  	[smem:$0x3FB5] =	sst s0;
	s0 =	simm.s32 @!p1 $0x0  }
0x14: {  	s2 =	sld [smem:$0x3F99];
	s0 =	simm.s32 @p1 $0x1  }
0x15: {  	[smem:$0x3FB6] =	sst s0;
	s0 =	simm.s32 @!p2 $0x0  }
0x16: {  	s3 =	sld [smem:$0x3FDB];
	s0 =	simm.s32 @p2 $0x1  }
0x17: {  	s4 =	simm.s32 $0x1BF5;
	[smem:$0x3FB8] =	sst s0  }
0x18: {  	s0 =	sld [smem:$0x3F9B];
	_ =	swait.ge [sflag:s4], $0x0  }
0x19: {  	s7 =	sld [smem:$0x3F9C]  }
0x1a: {  	s8 =	sadd.s32 $0xFFFFE003, lr  }
0x1b: {  	s9 =	sadd.s32 $0xFFFFFEF7, lr;
	s5 =	simm.s32 $0xFFFFFFFF;
	p2 =	slt.u32 s8, $0xFFFFF086  }
0x1c: {  	p1 =	slt.u32 s9, $0xF7A;
	s5 =	simm.s32 @!p2 $0x0  }
0x1d: {  	s5 =	simm.s32 @p1 $0x1;
	p0 =	seq.s32 s7, s2  }
0x1e: {  	s7 =	smul.u32 @!p0 $0xF7A, s2;
	p2 =	seq.s32 @!p0 s5, $0x0  }
0x1f: {  	s9 =	smul.u32 $0xF7A, s1;
	s8 =	simm.s32 @!p0 $0x1BF5;
	p2 =	por !p2, p0  }
0x20: {  	[sflag:s8] =	ssyncset.s32 @!p0 $0xFFFFF086;
	s6 =	sadd.s32 @!p0 s3, s7;
	s7 =	simm.s32 @!p0 $0x108  }
0x21: {  	s3 =	sadd.s32 s3, s9;
	s6 =	sadd.s32 @!p0 $0x88, s6;
	s7 =	simm.s32 @p2 $0x1082  }
0x22: {  	[simem:s7], [sflag:s8] =	dma.local @!p0 [hbm:s6], $0xF7A  }
0x23: {  	s9 =	sor.u32 $0xD0000000, s2;
	s6 =	simm.s32 $0x108;
	_ =	swait.ge @!p0 [sflag:s8], $0x0  }
0x24: {  	s3 =	sadd.s32 $0x88, s3;
	s6 =	simm.s32 @!p1 $0x1082;
	[sflag:s4] =	ssyncset.s32 $0xFFFFF086  }
0x25: {  	[simem:s6], [sflag:s4] =	dma.local [hbm:s3], $0xF7A  }
0x26: {  	[smem:$0x3F9C] =	sst s1;
	(tag) =	ssettag s2;
	_ =	strace s9  }
0x27: {  	s1 =	sld [smem:$0x3FAC]  }
0x28: {  	s2 =	sld [smem:$0x3FAD]  }
0x29: {  	s4 =	sld [smem:$0x3FAF]  }
0x2a: {  	p0 =	seq.s32 s5, $0x0;
	s5 =	sld [smem:$0x3FB0]  }
0x2b: {  	s6 =	sld [smem:$0x3FB1]  }
0x2c: {  	s7 =	sld [smem:$0x3FB2]  }
0x2d: {  	s3 =	simm.s32 $0x108;
	s8 =	sld [smem:$0x3FB3]  }
0x2e: {  	s3 =	simm.s32 @!p0 $0x1082;
	s9 =	sld [smem:$0x3FB4]  }
0x2f: {  	lr =	sadd.s32 s0, s3;
	s0 =	sld [smem:$0x3FAB]  }
0x30: {  	s3 =	sld [smem:$0x3FAE]  }
0x31: {  	[smem:$0x3FB7] =	sst s10  }
0x32: {  	s10 =	sld [smem:$0x3FB5];
	_ =	sdelay $0x3  }
0x33: {  	p0 =	seq.s32 s10, $0x1;
	s10 =	sld [smem:$0x3FB7];
	_ =	sdelay $0x3  }
0x34: {  	[smem:$0x3FB7] =	sst s10  }
0x35: {  	s10 =	sld [smem:$0x3FB6];
	_ =	sdelay $0x3  }
0x36: {  	p1 =	seq.s32 s10, $0x1;
	s10 =	sld [smem:$0x3FB7];
	_ =	sdelay $0x3  }
0x37: {  	[smem:$0x3FB7] =	sst s10  }
0x38: {  	s10 =	sld [smem:$0x3FB8]  }
0x39: {  	_ = 	snop;
	(pc) =	sbr.ind lr, $3  }
0x3a: {  	_ = 	snop  }
0x3b: {  	_ = 	snop  }
0x3c: {  	p2 =	seq.s32 s10, $0x1;
	s10 =	sld [smem:$0x3FB7]  }
0x3d: {  	_ =	shalt  }
0x3e: {  	_ =	shalt  }
0x3f: {  	_ =	shalt  }
0x40: {  	_ =	shalt  }
0x41: {  	_ =	shalt  }
0x42: {  	_ =	shalt  }
0x43: {  	_ =	shalt  }
0x44: {  	_ =	shalt  }
0x45: {  	_ =	shalt  }
0x46: {  	_ =	shalt  }
0x47: {  	_ =	shalt  }
0x48: {  	_ =	shalt  }
0x49: {  	_ =	shalt  }
0x4a: {  	_ =	shalt  }
0x4b: {  	_ =	shalt  }
0x4c: {  	_ =	shalt  }
0x4d: {  	_ =	shalt  }
0x4e: {  	_ =	shalt  }
0x4f: {  	_ =	shalt  }
0x50: {  	_ =	shalt  }
0x51: {  	_ =	shalt  }
0x52: {  	_ =	shalt  }
0x53: {  	_ =	shalt  }
0x54: {  	_ =	shalt  }
0x55: {  	_ =	shalt  }
0x56: {  	_ =	shalt  }
0x57: {  	_ =	shalt  }
0x58: {  	_ =	shalt  }
0x59: {  	_ =	shalt  }
0x5a: {  	_ =	shalt  }
0x5b: {  	_ =	shalt  }
0x5c: {  	_ =	shalt  }
0x5d: {  	_ =	shalt  }
0x5e: {  	_ =	shalt  }
0x5f: {  	_ =	shalt  }
0x60: {  	_ =	shalt  }
0x61: {  	_ =	shalt  }
0x62: {  	_ =	shalt  }
0x63: {  	_ =	shalt  }
0x64: {  	_ =	shalt  }
0x65: {  	_ =	shalt  }
0x66: {  	_ =	shalt  }
0x67: {  	_ =	shalt  }
0x68: {  	_ =	shalt  }
0x69: {  	_ =	shalt  }
0x6a: {  	_ =	shalt  }
0x6b: {  	_ =	shalt  }
0x6c: {  	_ =	shalt  }
0x6d: {  	_ =	shalt  }
0x6e: {  	_ =	shalt  }
0x6f: {  	_ =	shalt  }
0x70: {  	_ =	shalt  }
0x71: {  	_ =	shalt  }
0x72: {  	_ =	shalt  }
0x73: {  	_ =	shalt  }
0x74: {  	_ =	shalt  }
0x75: {  	_ =	shalt  }
0x76: {  	_ =	shalt  }
0x77: {  	_ =	shalt  }
0x78: {  	_ =	shalt  }
0x79: {  	_ =	shalt  }
0x7a: {  	_ =	shalt  }
0x7b: {  	_ =	shalt  }
0x7c: {  	_ =	shalt  }
0x7d: {  	_ =	shalt  }
0x7e: {  	_ =	shalt  }
0x7f: {  	_ =	shalt  }
0x80: {  	_ =	shalt  }
0x81: {  	_ =	shalt  }
0x82: {  	_ =	shalt  }
0x83: {  	_ =	shalt  }
0x84: {  	_ =	shalt  }
0x85: {  	_ =	shalt  }
0x86: {  	_ =	shalt  }
0x87: {  	_ =	shalt  }
.Lfunc_end0:
.L_simem_size_0:
called_computation.1_lowered:
.L_overlay_start_0:
0x88: {  	s2 =	sld [smem:$0x3FD9]  }
0x89: {  	s3 =	sld [smem:$0x3FFE];
	_ =	sdelay $0x1  }
0x8a: {  	s1 =	srdreg.scid  }
0x8b: {  	s0 =	sand.u32 $0x1, s1  }
0x8c: {  	s17 =	sshll.u32 s0, $0xA;
	s2 =	sadd.s32 s3, s2  }
0x8d: {  	s2 =	sadd.s32 s2, s17  }
0x8e: {  	[smem:$0x3FC3] =	sst s2  }
0x8f: {  	_ = 	snop  }
0x90: {  	s2 =	sld [smem:$0x3FD0];
	(tm) =	ssettm $0x1  }
0x91: {  	s18 =	sld [smem:$0x3FFB];
	_ =	sdelay $0x3  }
0x92: {  	_ =	strace s18  }
0x93: {  	s3 =	sld [smem:$0x3FFC];
	_ =	sdelay $0x3  }
0x94: {  	_ =	strace s3  }
0x95: {  	s3 =	sld [smem:$0x3FFD];
	_ =	sdelay $0x3  }
0x96: {  	_ =	strace s3  }
0x97: {  	_ =	strace $0x8FFFFFFF  }
0x98: {  	s19 =	sld [smem:$0x3FDB];
	_ =	sdelay $0x1  }
0x99: {  	s4 =	simm.s32 $_scs_section_size  }
0x9a: {  	s5 =	simm.s32 $_size__tile_overlayer_lowered;
	s6 =	simm.s32 $_tile_overlayer_lowered  }
0x9b: {  	s22 =	simm.s32 $0x1BFF;
	s21 =	sshll.u32 s6, $0x1;
	s3 =	sadd.s32 s4, s19  }
0x9c: {  	s7 =	simm.s32 $0x0;
	s20 =	sshll.u32 s5, $0x1;
	s5 =	sadd.s32 s21, s3  }
0x9d: {  	[timem:s7], [sflag:s22] =	dma.local [hbm:s5], s20  }
0x9e: {  	_ =	swait.ge [sflag:s22], s20  }
0x9f: {  	s4 =	ssub.s32 $0x0, s20;
	[sflag:s22] =	ssyncset.done $0x0  }
0xa0: {  	[sflag:s22] =	ssyncadd.s32 s4;
	_ =	sdelay $0x1  }
0xa1: {  	s23 =	simm.s32 $0x1B8B  }
0xa2: {  	_ =	swait.ge [sflag:s23], $0x1  }
0xa3: {  	[sflag:s23] =	ssyncset.done $0x0  }
0xa4: {  	s25 =	simm.s32 $0x1B8E;
	s24 =	sld [smem:$0x3FFE];
	[sflag:s23] =	ssyncadd.s32 $0xFFFFFFFF  }
0xa5: {  	s26 =	simm.s32 $execute0_lowered;
	[smem:$0x3FD2] =	sst s25  }
0xa6: {  	s5 =	sshll.u32 s26, $0x1;
	_ =	strace $0x80000049;
	[dreg:$0x1] =	wrdreg $0xFFFFFFFF  }
0xa7: {  	s28 =	simm.s32 $_size_execute0_lowered;
	s3 =	sadd.s32 s3, s5;
	[dreg:$0x0] =	wrdreg $0x0  }
0xa8: {  	s5 =	sshll.u32 s28, $0x1;
	[dreg:$0x2] =	wrdreg s3  }
0xa9: {  	[dreg:$0x3] =	wrdreg s5  }
0xaa: {  	[dreg:$0x4] =	wrdreg $0xC0  }
0xab: {  	_ =	task [dreg:s7], $0x5FFFF  }
0xac: {  	[dreg:$0x1] =	wrdreg $0xFFFFFFFF  }
0xad: {  	[dreg:$0x0] =	wrdreg $0x60  }
0xae: {  	[dreg:$0x2] =	wrdreg s24  }
0xaf: {  	[dreg:$0x3] =	wrdreg s2  }
0xb0: {  	[dreg:$0x4] =	wrdreg $0x93000  }
0xb1: {  	[dreg:$0x5] =	wrdreg $0x1CF000  }
0xb2: {  	[dreg:$0x6] =	wrdreg $0x9  }
0xb3: {  	_ =	task.clear_ibuf [dreg:s7], $0x7FFFF;
	_ =	strace $0x90000049  }
0xb4: {  	s29 =	simm.s32 $0x9;
	_ =	strace $0x8000004B  }
0xb5: {  	_ =	swait.ge [sflag:s29], $0x1  }
0xb6: {  	[sflag:s29] =	ssyncadd.s32 $0xFFFFFFFF  }
0xb7: {  	_ =	strace $0x9000004B  }
0xb8: {  	_ =	sfence  }
0xb9: {  	s30 =	sld [smem:$0x0];
	_ =	sdelay $0x2  }
0xba: {  	s31 =	sshll.u32 s1, $0xD;
	s1 =	sshrl.u32 s1, $0x2  }
0xbb: {  	s3 =	sand.u32 $0x4000, s31;
	s1 =	sadd.s32 s1, s30  }
0xbc: {  	s0 =	sor.u32 s3, s0;
	s1 =	sshll.u32 s1, $0x11  }
0xbd: {  	s0 =	sor.u32 s1, s0  }
0xbe: {  	s0 =	sadd.s32 $0x8F2B, s0  }
0xbf: {  	[sflag:s0] =	ssyncadd.remote.s32 $0x1  }
0xc0: {  	_ =	sfence.sel $0xFFFF  }
0xc1: {  	[dreg:$0x0] =	wrdreg $0xFFFFFFFF;
	(pc) =	sbr.abs _section_cstart, $3  }
0xc2: {  	[dreg:$0x1] =	wrdreg $0xFFFFFFFF  }
0xc3: {  	_ =	task.clear_ibuf [dreg:s7], $0x2FFFF;
	_ =	strace $0x9FFFFFFF  }
0xc4: {  	(tm) =	ssettm $0x7FFFFFFF  }
0xc5: {  	_ =	shalt  }
tec
execute0_lowered:
.L_overlay_start_1:
0x0: {  	(tag) =	ssettag $0x1  }
0x1: {  	s0 =	rddreg [dreg:$0x0]  }
0x2: {  	s1 =	srdreg.scid;
	s13 =	rddreg [dreg:$0x1]  }
0x3: {  	s10 =	stileid.u32;
	s2 =	rddreg [dreg:$0x2]  }
0x4: {  	s23 =	simm.s32 $0x3;
	s24 =	simm.s32 $0x9080;
	s28 =	simm.s32 $0x9000  }
0x5: {  	s29 =	simm.s32 $0x1;
	s30 =	simm.s32 $0x2;
	s12 =	smul.u32 $0x278, s10  }
0x6: {  	s31 =	simm.s32 $0x0;
	s1 =	sand.u32 $0x1, s1;
	s9 =	smul.u32 $0x4F000, s10  }
0x7: {  	s3 =	sshll.u32 s10, $0x1;
	s5 =	sadd.s32 $0xAE00, s0;
	s20 =	smul.u32 $0x13C00, s10  }
0x8: {  	s6 =	sadd.s32 $0x32600, s0;
	s19 =	sadd.s32 $0x33600, s0;
	s7 =	smul.u32 $0x2780, s1  }
0x9: {  	s4 =	sor.u32 s1, s3;
	s8 =	ssub.s32 $0x2, s1;
	s1 =	smul.u32 $0x13C000, s1  }
0xa: {  	s3 =	rddreg [dreg:$0x3];
	s14 =	smul.u32 $0x500, s4;
	s4 =	simm.s32 $0x0  }
0xb: {  	s25 =	sshrl.u32 s8, $0x1;
	s11 =	sshll.u32 s12, $0x7;
	s26 =	sshrl.u32 s9, $0x2  }
0xc: {  	[smem:$0x7FF] =	sst s4;
	s7 =	sadd.s32 s12, s7;
	s21 =	ssub.s32 s8, s25  }
0xd: {  	s16 =	sadd.s32 $0x4000, s11;
	s17 =	sadd.s32 $0x8000, s11;
	s18 =	sadd.s32 $0xC000, s11  }
0xe: {  	s22 =	sadd.s32 $0x10000, s11;
	s12 =	sadd.s32 s12, s3;
	s20 =	sadd.s32 s20, s1  }
0xf: {  	_ =	strace $0x8000004A;
	s15 =	sadd.s32 s14, s0;
	s7 =	sshrl.u32 s7, $0x3  }
0x10: {  	s8 =	sadd.s32 s16, s2;
	s9 =	sadd.s32 s17, s2;
	s10 =	sadd.s32 s18, s2  }
0x11: {  	s11 =	sadd.s32 s22, s2;
	s13 =	sadd.s32 s13, s14;
	s20 =	sshrl.u32 s20, $0x3  }
0x12: {  	s16 =	sadd.s32 s1, s16;
	s17 =	sadd.s32 s1, s17;
	s18 =	sadd.s32 s1, s18  }
0x13: {  	s1 =	sadd.s32 s1, s22;
	s21 =	smax.u32 s21, $0x1;
	s22 =	simm.s32 $0x5000  }
0x14: {  	s0 =	sadd.s32 s7, s0;
	s7 =	sadd.s32 s26, s2;
	[dreg:$0x5] =	wrdreg s13  }
0x15: {  	s14 =	sadd.s32 $0xE00, s15;
	s15 =	sadd.s32 s19, s20;
	s16 =	sshrl.u32 s16, $0x3  }
0x16: {  	s17 =	sshrl.u32 s17, $0x3;
	s18 =	sshrl.u32 s18, $0x3;
	s1 =	sshrl.u32 s1, $0x3  }
0x17: {  	s26 =	simm.s32 $0x80;
	s16 =	sadd.s32 s19, s16;
	s17 =	sadd.s32 s19, s17  }
0x18: {  	v0 =	vimm.f32 $0.0e+00;
	s18 =	sadd.s32 s19, s18;
	s19 =	sadd.s32 s19, s1;
	s20 =	sadd.s32 $0x32C00, s0  }
.LBB2_1:
0x19: {  	s1 =	simm.s32 $0x0;
	s0 =	simm.s32 $0x200  }
.LBB2_2:
0x1a: {  	p0 =	sne.s32 s0, $0xFE00;
	[tilespmem:s1+$0x5070] =	vst v0  }
0x1b: {  	[tilespmem:s1+$0x5000] =	vst v0  }
0x1c: {  	[tilespmem:s1+$0x5010] =	vst v0  }
.Ltmp0:
0x1d: {  	[tilespmem:s1+$0x5020] =	vst v0;
	(pc) =	sbr.rel @p0 .LBB2_2-.Ltmp0, $4  }
0x1e: {  	[tilespmem:s1+$0x5030] =	vst v0  }
0x1f: {  	[tilespmem:s1+$0x5040] =	vst v0  }
0x20: {  	[tilespmem:s1+$0x5050] =	vst v0  }
0x21: {  	[tilespmem:s1+$0x5060] =	vst v0;
	s1 =	sshra.s32 s0, $0x2;
	s0 =	sadd.s32 $0x200, s0  }
0x22: {  	[tilespmem:s1+$0x5070] =	vst v0  }
0x23: {  	[tilespmem:s1+$0x5000] =	vst v0  }
0x24: {  	[tilespmem:s1+$0x5010] =	vst v0  }
0x25: {  	[tilespmem:s1+$0x5020] =	vst v0  }
0x26: {  	[tilespmem:s1+$0x5030] =	vst v0  }
0x27: {  	[tilespmem:s1+$0x5040] =	vst v0  }
0x28: {  	[tilespmem:s1+$0x5050] =	vst v0  }
0x29: {  	[tilespmem:s1+$0x5060] =	vst v0  }
0x2a: {  	[tilespmem:$0x9080] =	vst v0  }
0x2b: {  	[tilespmem:$0x9090] =	vst v0  }
0x2c: {  	[tilespmem:$0x90A0] =	vst v0  }
0x2d: {  	[tilespmem:$0x90B0] =	vst v0  }
0x2e: {  	[tilespmem:$0x90C0] =	vst v0  }
0x2f: {  	[tilespmem:$0x90D0] =	vst v0  }
0x30: {  	[tilespmem:$0x90E0] =	vst v0  }
0x31: {  	[tilespmem:$0x90F0] =	vst v0  }
0x32: {  	[tilespmem:$0x9100] =	vst v0  }
0x33: {  	[tilespmem:$0x9110] =	vst v0  }
0x34: {  	[tilespmem:$0x9120] =	vst v0  }
0x35: {  	[tilespmem:$0x9130] =	vst v0  }
0x36: {  	[tilespmem:$0x9140] =	vst v0  }
0x37: {  	[tilespmem:$0x9150] =	vst v0  }
0x38: {  	[tilespmem:$0x9160] =	vst v0  }
0x39: {  	[tilespmem:$0x9170] =	vst v0  }
0x3a: {  	[tilespmem:$0x9180] =	vst v0  }
0x3b: {  	[tilespmem:$0x9190] =	vst v0  }
0x3c: {  	[tilespmem:$0x91A0] =	vst v0  }
0x3d: {  	[tilespmem:$0x91B0] =	vst v0  }
0x3e: {  	[tilespmem:$0x91C0] =	vst v0  }
0x3f: {  	[tilespmem:$0x91D0] =	vst v0  }
0x40: {  	[tilespmem:$0x91E0] =	vst v0  }
0x41: {  	[tilespmem:$0x91F0] =	vst v0  }
0x42: {  	[tilespmem:$0x9200] =	vst v0  }
0x43: {  	[tilespmem:$0x9210] =	vst v0  }
0x44: {  	[tilespmem:$0x9220] =	vst v0  }
0x45: {  	[tilespmem:$0x9230] =	vst v0  }
0x46: {  	[tilespmem:$0x9240] =	vst v0  }
0x47: {  	[tilespmem:$0x9250] =	vst v0  }
0x48: {  	[tilespmem:$0x9260] =	vst v0  }
0x49: {  	[tilespmem:$0x9270] =	vst v0  }
0x4a: {  	[tilespmem:$0x9280] =	vst v0  }
0x4b: {  	[tilespmem:$0x9290] =	vst v0  }
0x4c: {  	[tilespmem:$0x92A0] =	vst v0  }
0x4d: {  	[tilespmem:$0x92B0] =	vst v0  }
0x4e: {  	[tilespmem:$0x92C0] =	vst v0  }
0x4f: {  	[tilespmem:$0x92D0] =	vst v0  }
0x50: {  	[tilespmem:$0x92E0] =	vst v0  }
0x51: {  	[tilespmem:$0x92F0] =	vst v0  }
0x52: {  	[spmem:s7] =	stream.linear.scatter [tilespmem:s22], [sflag:$0x3], $0x4000, $0x38;
	[tilespmem:$0x1D178] =	vst v63  }
0x53: {  	_ =	swait.ge [sflag:s23], $0x4000  }
0x54: {  	[sflag:s23] =	ssyncset.done $0x0  }
0x55: {  	[sflag:s23] =	ssyncadd.s32 $0xFFFFC000  }
0x56: {  	[spmem:s8] =	stream.linear.scatter [tilespmem:s22], [sflag:$0x3], $0x4000, $0x38;
	[tilespmem:$0x1D178] =	vst v63  }
0x57: {  	_ =	swait.ge [sflag:s23], $0x4000  }
0x58: {  	[sflag:s23] =	ssyncset.done $0x0  }
0x59: {  	[sflag:s23] =	ssyncadd.s32 $0xFFFFC000  }
0x5a: {  	[spmem:s9] =	stream.linear.scatter [tilespmem:s22], [sflag:$0x3], $0x4000, $0x38;
	[tilespmem:$0x1D178] =	vst v63  }
0x5b: {  	_ =	swait.ge [sflag:s23], $0x4000  }
0x5c: {  	[sflag:s23] =	ssyncset.done $0x0  }
0x5d: {  	[sflag:s23] =	ssyncadd.s32 $0xFFFFC000  }
0x5e: {  	[spmem:s10] =	stream.linear.scatter [tilespmem:s22], [sflag:$0x3], $0x4000, $0x38;
	[tilespmem:$0x1D178] =	vst v63  }
0x5f: {  	_ =	swait.ge [sflag:s23], $0x4000  }
0x60: {  	[sflag:s23] =	ssyncset.done $0x0  }
0x61: {  	[sflag:s23] =	ssyncadd.s32 $0xFFFFC000  }
0x62: {  	[spmem:s11] =	stream.linear.scatter [tilespmem:s22], [sflag:$0x3], $0x3C00, $0x38;
	[tilespmem:$0x1D178] =	vst v63  }
0x63: {  	_ =	swait.ge [sflag:s23], $0x3C00  }
0x64: {  	[sflag:s23] =	ssyncset.done $0x0  }
0x65: {  	[sflag:s23] =	ssyncadd.s32 $0xFFFFC400  }
0x66: {  	[spmem:s12] =	stream.linear.scatter [tilespmem:s24], [sflag:$0x3], $0x278, $0x38;
	[tilespmem:$0x1D178] =	vst v63  }
0x67: {  	_ =	swait.ge [sflag:s23], $0x278  }
0x68: {  	[sflag:s23] =	ssyncset.done $0x0  }
0x69: {  	[sflag:s23] =	ssyncadd.s32 $0xFFFFFD88  }
0x6a: {  	[bflag:$0x0] =	sbarrier.arrive $0xFFFF  }
0x6b: {  	s0 =	simm.s32 $0x0;
	s13 =	rddreg [dreg:$0x5]  }
0x6c: {  	[tilespmem:s0], [sflag:$0x3] =	stream.linear.gather [hbm4b:s13+s0], $0x2800, $0x38;
	[tilespmem:$0x1D178] =	vst v63  }
0x6d: {  	_ =	swait.ge [sflag:s23], $0x2800  }
0x6e: {  	[sflag:s23] =	ssyncset.done $0x0  }
0x6f: {  	s25 =	simm.s32 $0x2800;
	[sflag:s23] =	ssyncadd.s32 $0xFFFFD800  }
0x70: {  	[tilespmem:s25], [sflag:$0x3] =	stream.linear.gather [hbm4b:s14+s0], $0x2800, $0x38;
	[tilespmem:$0x1D178] =	vst v63  }
0x71: {  	_ =	swait.ge [sflag:s23], $0x2800  }
0x72: {  	[sflag:s23] =	ssyncset.done $0x0  }
0x73: {  	s13 =	simm.s32 $0x0;
	[sflag:s23] =	ssyncadd.s32 $0xFFFFD800  }
0x74: {  	[tilespmem:s22], [sflag:$0x1] =	stream.indirect.gather [hbm4b:s5+s26], $0x80, s13, s26, $0xb8;
	[tilespmem:$0x1D178] =	vst v63  }
0x75: {  	_ = 	snop  }
0x76: {  	[tilespmem:s28], [sflag:$0x2] =	stream.indirect.gather [hbm4b:s6+s26], $0x1, s13, s26, $0xb8;
	[tilespmem:$0x1D178] =	vst v63  }
0x77: {  	_ =	swait.ge [sflag:s29], $0x4000  }
0x78: {  	[sflag:s29] =	ssyncset.done $0x0  }
0x79: {  	[sflag:s29] =	ssyncadd.s32 $0xFFFFC000  }
0x7a: {  	_ =	swait.ge [sflag:s30], $0x80  }
0x7b: {  	[sflag:s30] =	ssyncset.done $0x0  }
0x7c: {  	s25 =	simm.s32 $0x2800;
	[sflag:s30] =	ssyncadd.s32 $0xFFFFFF80  }
0x7d: {  	[spmem:s2] =	stream.indirect.scatter.add.f32 [tilespmem:s22], [sflag:$0x3], $0x80, s25, s26, $0xb8;
	[tilespmem:$0x1D178] =	vst v63  }
0x7e: {  	_ =	swait.ge [sflag:s23], $0x4000  }
0x7f: {  	[sflag:s23] =	ssyncset.done $0x0  }
0x80: {  	[sflag:s23] =	ssyncadd.s32 $0xFFFFC000  }
0x81: {  	[spmem:s3] =	stream.indirect.scatter.add.f32 [tilespmem:s28], [sflag:$0x3], $0x1, s25, s26, $0xb8;
	[tilespmem:$0x1D178] =	vst v63  }
0x82: {  	_ =	swait.ge [sflag:s23], $0x80  }
0x83: {  	s1 =	simm.s32 $0x200;
	s0 =	simm.s32 $0x400;
	[sflag:s23] =	ssyncset.done $0x0  }
.LBB2_4:
0x84: {  	s25 =	sshra.s32 s1, $0x2  }
0x85: {  	[sflag:s23] =	ssyncadd.s32 $0xFFFFFF80;
	s1 =	smov.u32 s0;
	s13 =	sadd.s32 $0x200, s0  }
0x86: {  	[tilespmem:s22], [sflag:$0x1] =	stream.indirect.gather [hbm4b:s5+s26], $0x80, s25, s26, $0xb8;
	[tilespmem:$0x1D178] =	vst v63  }
0x87: {  	p0 =	sne.s32 s0, $0x9E00  }
0x88: {  	[tilespmem:s28], [sflag:$0x2] =	stream.indirect.gather [hbm4b:s6+s26], $0x1, s25, s26, $0xb8;
	[tilespmem:$0x1D178] =	vst v63  }
0x89: {  	_ =	swait.ge [sflag:s29], $0x4000  }
0x8a: {  	[sflag:s29] =	ssyncset.done $0x0  }
0x8b: {  	[sflag:s29] =	ssyncadd.s32 $0xFFFFC000  }
0x8c: {  	_ =	swait.ge [sflag:s30], $0x80  }
0x8d: {  	[sflag:s30] =	ssyncset.done $0x0  }
0x8e: {  	s0 =	sadd.s32 $0x2800, s25;
	[sflag:s30] =	ssyncadd.s32 $0xFFFFFF80  }
0x8f: {  	[spmem:s2] =	stream.indirect.scatter.add.f32 [tilespmem:s22], [sflag:$0x3], $0x80, s0, s26, $0xb8;
	[tilespmem:$0x1D178] =	vst v63  }
0x90: {  	_ =	swait.ge [sflag:s23], $0x4000  }
.Ltmp1:
0x91: {  	[sflag:s23] =	ssyncset.done $0x0;
	(pc) =	sbr.rel @p0 .LBB2_4-.Ltmp1, $4  }
0x92: {  	[sflag:s23] =	ssyncadd.s32 $0xFFFFC000  }
0x93: {  	[spmem:s3] =	stream.indirect.scatter.add.f32 [tilespmem:s28], [sflag:$0x3], $0x1, s0, s26, $0xb8;
	[tilespmem:$0x1D178] =	vst v63  }
0x94: {  	_ =	swait.ge [sflag:s23], $0x80  }
0x95: {  	s0 =	smov.u32 s13;
	[sflag:s23] =	ssyncset.done $0x0  }
0x96: {  	s0 =	sshra.s32 s1, $0x2;
	[sflag:s23] =	ssyncadd.s32 $0xFFFFFF80  }
0x97: {  	[tilespmem:s22], [sflag:$0x1] =	stream.indirect.gather [hbm4b:s5+s26], $0x80, s0, s26, $0xb8;
	[tilespmem:$0x1D178] =	vst v63  }
0x98: {  	_ = 	snop  }
0x99: {  	[tilespmem:s28], [sflag:$0x2] =	stream.indirect.gather [hbm4b:s6+s26], $0x1, s0, s26, $0xb8;
	[tilespmem:$0x1D178] =	vst v63  }
0x9a: {  	_ =	swait.ge [sflag:s29], $0x4000  }
0x9b: {  	[sflag:s29] =	ssyncset.done $0x0  }
0x9c: {  	[sflag:s29] =	ssyncadd.s32 $0xFFFFC000  }
0x9d: {  	_ =	swait.ge [sflag:s30], $0x80  }
0x9e: {  	[sflag:s30] =	ssyncset.done $0x0  }
0x9f: {  	s0 =	sadd.s32 $0x2800, s0;
	[sflag:s30] =	ssyncadd.s32 $0xFFFFFF80  }
0xa0: {  	[spmem:s2] =	stream.indirect.scatter.add.f32 [tilespmem:s22], [sflag:$0x3], $0x80, s0, s26, $0xb8;
	[tilespmem:$0x1D178] =	vst v63  }
0xa1: {  	_ =	swait.ge [sflag:s23], $0x4000  }
0xa2: {  	[sflag:s23] =	ssyncset.done $0x0  }
0xa3: {  	[sflag:s23] =	ssyncadd.s32 $0xFFFFC000  }
0xa4: {  	[spmem:s3] =	stream.indirect.scatter.add.f32 [tilespmem:s28], [sflag:$0x3], $0x1, s0, s26, $0xb8;
	[tilespmem:$0x1D178] =	vst v63  }
0xa5: {  	_ =	swait.ge [sflag:s23], $0x80  }
0xa6: {  	[sflag:s23] =	ssyncset.done $0x0  }
0xa7: {  	[sflag:s23] =	ssyncadd.s32 $0xFFFFFF80  }
0xa8: {  	[bflag:$0x0] =	sbarrier.arrive $0xFFFF  }
0xa9: {  	[tilespmem:s22], [sflag:$0x3] =	stream.linear.gather [spmem:s7], $0x4000, $0x38;
	[tilespmem:$0x1D178] =	vst v63  }
0xaa: {  	_ =	swait.ge [sflag:s23], $0x4000  }
0xab: {  	[sflag:s23] =	ssyncset.done $0x0  }
0xac: {  	[sflag:s23] =	ssyncadd.s32 $0xFFFFC000  }
0xad: {  	[hbm4b:s15+s4] =	stream.linear.scatter [tilespmem:s22], [sflag:$0x3], $0x4000, $0x38;
	[tilespmem:$0x1D178] =	vst v63  }
0xae: {  	_ =	swait.ge [sflag:s23], $0x4000  }
0xaf: {  	[sflag:s23] =	ssyncset.done $0x0  }
0xb0: {  	[sflag:s23] =	ssyncadd.s32 $0xFFFFC000  }
0xb1: {  	[tilespmem:s22], [sflag:$0x3] =	stream.linear.gather [spmem:s8], $0x4000, $0x38;
	[tilespmem:$0x1D178] =	vst v63  }
0xb2: {  	_ =	swait.ge [sflag:s23], $0x4000  }
0xb3: {  	[sflag:s23] =	ssyncset.done $0x0  }
0xb4: {  	[sflag:s23] =	ssyncadd.s32 $0xFFFFC000  }
0xb5: {  	[hbm4b:s16+s4] =	stream.linear.scatter [tilespmem:s22], [sflag:$0x3], $0x4000, $0x38;
	[tilespmem:$0x1D178] =	vst v63  }
0xb6: {  	_ =	swait.ge [sflag:s23], $0x4000  }
0xb7: {  	[sflag:s23] =	ssyncset.done $0x0  }
0xb8: {  	[sflag:s23] =	ssyncadd.s32 $0xFFFFC000  }
0xb9: {  	[tilespmem:s22], [sflag:$0x3] =	stream.linear.gather [spmem:s9], $0x4000, $0x38;
	[tilespmem:$0x1D178] =	vst v63  }
0xba: {  	_ =	swait.ge [sflag:s23], $0x4000  }
0xbb: {  	[sflag:s23] =	ssyncset.done $0x0  }
0xbc: {  	[sflag:s23] =	ssyncadd.s32 $0xFFFFC000  }
0xbd: {  	[hbm4b:s17+s4] =	stream.linear.scatter [tilespmem:s22], [sflag:$0x3], $0x4000, $0x38;
	[tilespmem:$0x1D178] =	vst v63  }
0xbe: {  	_ =	swait.ge [sflag:s23], $0x4000  }
0xbf: {  	[sflag:s23] =	ssyncset.done $0x0  }
0xc0: {  	[sflag:s23] =	ssyncadd.s32 $0xFFFFC000  }
0xc1: {  	[tilespmem:s22], [sflag:$0x3] =	stream.linear.gather [spmem:s10], $0x4000, $0x38;
	[tilespmem:$0x1D178] =	vst v63  }
0xc2: {  	_ =	swait.ge [sflag:s23], $0x4000  }
0xc3: {  	[sflag:s23] =	ssyncset.done $0x0  }
0xc4: {  	[sflag:s23] =	ssyncadd.s32 $0xFFFFC000  }
0xc5: {  	[hbm4b:s18+s4] =	stream.linear.scatter [tilespmem:s22], [sflag:$0x3], $0x4000, $0x38;
	[tilespmem:$0x1D178] =	vst v63  }
0xc6: {  	_ =	swait.ge [sflag:s23], $0x4000  }
0xc7: {  	[sflag:s23] =	ssyncset.done $0x0  }
0xc8: {  	[sflag:s23] =	ssyncadd.s32 $0xFFFFC000  }
0xc9: {  	[tilespmem:s22], [sflag:$0x3] =	stream.linear.gather [spmem:s11], $0x3C00, $0x38;
	[tilespmem:$0x1D178] =	vst v63  }
0xca: {  	_ =	swait.ge [sflag:s23], $0x3C00  }
0xcb: {  	[sflag:s23] =	ssyncset.done $0x0  }
0xcc: {  	[sflag:s23] =	ssyncadd.s32 $0xFFFFC400  }
0xcd: {  	[hbm4b:s19+s4] =	stream.linear.scatter [tilespmem:s22], [sflag:$0x3], $0x3C00, $0x38;
	[tilespmem:$0x1D178] =	vst v63  }
0xce: {  	_ =	swait.ge [sflag:s23], $0x3C00  }
0xcf: {  	[sflag:s23] =	ssyncset.done $0x0  }
0xd0: {  	[sflag:s23] =	ssyncadd.s32 $0xFFFFC400  }
0xd1: {  	[tilespmem:s24], [sflag:$0x3] =	stream.linear.gather [spmem:s12], $0x278, $0x38;
	[tilespmem:$0x1D178] =	vst v63  }
0xd2: {  	s31 =	sadd.s32 $0x1, s31;
	_ =	swait.ge [sflag:s23], $0x278  }
0xd3: {  	p0 =	sne.s32 s31, s21;
	[sflag:s23] =	ssyncset.done $0x0  }
.Ltmp2:
0xd4: {  	[sflag:s23] =	ssyncadd.s32 $0xFFFFFD88;
	(pc) =	sbr.rel @p0 .LBB2_1-.Ltmp2, $4  }
0xd5: {  	[hbm4b:s20+s4] =	stream.linear.scatter [tilespmem:s24], [sflag:$0x3], $0x278, $0x38;
	[tilespmem:$0x1D178] =	vst v63  }
0xd6: {  	_ =	swait.ge [sflag:s23], $0x278  }
0xd7: {  	[sflag:s23] =	ssyncset.done $0x0  }
0xd8: {  	[sflag:s23] =	ssyncadd.s32 $0xFFFFFD88  }
0xd9: {  	_ =	sfence.sel $0x180000  }
0xda: {  	[bflag:$0x0] =	sbarrier.arrive $0xFFFF  }
0xdb: {  	_ =	strace $0x9000004A  }
0xdc: {  	s0 =	stileid.u32;
	[bflag:$0x2] =	sbarrier.arrive $0xFFFF  }
0xdd: {  	p0 =	sne.s32 s0, $0x0;
	s0 =	rddreg [dreg:$0x4]  }
0xde: {  	s0 =	sadd.s32 @!p0 $0x100000, s0  }
0xdf: {  	[sflag:s0] =	ssyncadd.tile.s32 @!p0 $0x1;
	_ =	shalt  }
.Lfunc_end2:
_tile_overlayer_lowered:
.L_overlay_start_2:
0xe0: {  	(tag) =	ssettag $0x2  }
0xe1: {  	s0 =	rddreg [dreg:$0x0];
	s2 =	stileid.u32  }
0xe2: {  	s1 =	rddreg [dreg:$0x1];
	p0 =	sne.s32 s2, $0x0  }
0xe3: {  	s3 =	rddreg [dreg:$0x2];
	[bflag:$0x3] =	sbarrier.arrive $0xFFFF;
	s2 =	simm.s32 @!p0 $0x1C03  }
0xe4: {  	[timem:s3], [sflag:s2] =	dma.local @!p0 [hbm:s0], s1  }
0xe5: {  	s0 =	simm.s32 @!p0 $0x3  }
0xe6: {  	_ =	swait.ge @!p0 [sflag:s0], s1  }
0xe7: {  	s1 =	ssub.s32 @!p0 $0x0, s1;
	[sflag:s0] =	ssyncset.done @!p0 $0x0  }
0xe8: {  	[sflag:s0] =	ssyncadd.s32 @!p0 s1  }
0xe9: {  	[bflag:$0x3] =	sbarrier.arrive $0xFFFF  }
0xea: {  	_ =	shalt  }

// kernel: _run.7.cloned.1.call-start
scs
__scs_entry_jumppad:
0x0: {  	(pc) =	sbr.rel $0x88, $3  }
0x1: {  	(tag) =	ssettag $0x0;
	lr =	simm.s32 $0x1  }
0x2: {  	[smem:$0x3F9C] =	sst lr;
	_ =	strace $0xD0000000  }
0x3: {  	_ = 	snop  }
0x4: {  	_ = 	snop  }
0x5: {  	_ = 	snop  }
0x6: {  	_ = 	snop  }
0x7: {  	_ = 	snop  }
__scs_overlays_trampoline_lowered:
0x8: {  	[smem:$0x3FAB] =	sst s0  }
0x9: {  	[smem:$0x3FAC] =	sst s1  }
0xa: {  	[smem:$0x3FAD] =	sst s2  }
0xb: {  	[smem:$0x3FAE] =	sst s3  }
0xc: {  	[smem:$0x3FAF] =	sst s4  }
0xd: {  	[smem:$0x3FB0] =	sst s5  }
0xe: {  	[smem:$0x3FB1] =	sst s6  }
0xf: {  	[smem:$0x3FB2] =	sst s7  }
0x10: {  	[smem:$0x3FB3] =	sst s8  }
0x11: {  	[smem:$0x3FB4] =	sst s9;
	s0 =	simm.s32 @!p0 $0x0  }
0x12: {  	s1 =	sld [smem:$0x3F9A];
	s0 =	simm.s32 @p0 $0x1  }
0x13: {  	[smem:$0x3FB5] =	sst s0;
	s0 =	simm.s32 @!p1 $0x0  }
0x14: {  	s2 =	sld [smem:$0x3F99];
	s0 =	simm.s32 @p1 $0x1  }
0x15: {  	[smem:$0x3FB6] =	sst s0;
	s0 =	simm.s32 @!p2 $0x0  }
0x16: {  	s3 =	sld [smem:$0x3FDB];
	s0 =	simm.s32 @p2 $0x1  }
0x17: {  	s4 =	simm.s32 $0x1BF5;
	[smem:$0x3FB8] =	sst s0  }
0x18: {  	s0 =	sld [smem:$0x3F9B];
	_ =	swait.ge [sflag:s4], $0x0  }
0x19: {  	s7 =	sld [smem:$0x3F9C]  }
0x1a: {  	s8 =	sadd.s32 $0xFFFFE003, lr  }
0x1b: {  	s9 =	sadd.s32 $0xFFFFFEF7, lr;
	s5 =	simm.s32 $0xFFFFFFFF;
	p2 =	slt.u32 s8, $0xFFFFF086  }
0x1c: {  	p1 =	slt.u32 s9, $0xF7A;
	s5 =	simm.s32 @!p2 $0x0  }
0x1d: {  	s5 =	simm.s32 @p1 $0x1;
	p0 =	seq.s32 s7, s2  }
0x1e: {  	s7 =	smul.u32 @!p0 $0xF7A, s2;
	p2 =	seq.s32 @!p0 s5, $0x0  }
0x1f: {  	s9 =	smul.u32 $0xF7A, s1;
	s8 =	simm.s32 @!p0 $0x1BF5;
	p2 =	por !p2, p0  }
0x20: {  	[sflag:s8] =	ssyncset.s32 @!p0 $0xFFFFF086;
	s6 =	sadd.s32 @!p0 s3, s7;
	s7 =	simm.s32 @!p0 $0x108  }
0x21: {  	s3 =	sadd.s32 s3, s9;
	s6 =	sadd.s32 @!p0 $0x88, s6;
	s7 =	simm.s32 @p2 $0x1082  }
0x22: {  	[simem:s7], [sflag:s8] =	dma.local @!p0 [hbm:s6], $0xF7A  }
0x23: {  	s9 =	sor.u32 $0xD0000000, s2;
	s6 =	simm.s32 $0x108;
	_ =	swait.ge @!p0 [sflag:s8], $0x0  }
0x24: {  	s3 =	sadd.s32 $0x88, s3;
	s6 =	simm.s32 @!p1 $0x1082;
	[sflag:s4] =	ssyncset.s32 $0xFFFFF086  }
0x25: {  	[simem:s6], [sflag:s4] =	dma.local [hbm:s3], $0xF7A  }
0x26: {  	[smem:$0x3F9C] =	sst s1;
	(tag) =	ssettag s2;
	_ =	strace s9  }
0x27: {  	s1 =	sld [smem:$0x3FAC]  }
0x28: {  	s2 =	sld [smem:$0x3FAD]  }
0x29: {  	s4 =	sld [smem:$0x3FAF]  }
0x2a: {  	p0 =	seq.s32 s5, $0x0;
	s5 =	sld [smem:$0x3FB0]  }
0x2b: {  	s6 =	sld [smem:$0x3FB1]  }
0x2c: {  	s7 =	sld [smem:$0x3FB2]  }
0x2d: {  	s3 =	simm.s32 $0x108;
	s8 =	sld [smem:$0x3FB3]  }
0x2e: {  	s3 =	simm.s32 @!p0 $0x1082;
	s9 =	sld [smem:$0x3FB4]  }
0x2f: {  	lr =	sadd.s32 s0, s3;
	s0 =	sld [smem:$0x3FAB]  }
0x30: {  	s3 =	sld [smem:$0x3FAE]  }
0x31: {  	[smem:$0x3FB7] =	sst s10  }
0x32: {  	s10 =	sld [smem:$0x3FB5];
	_ =	sdelay $0x3  }
0x33: {  	p0 =	seq.s32 s10, $0x1;
	s10 =	sld [smem:$0x3FB7];
	_ =	sdelay $0x3  }
0x34: {  	[smem:$0x3FB7] =	sst s10  }
0x35: {  	s10 =	sld [smem:$0x3FB6];
	_ =	sdelay $0x3  }
0x36: {  	p1 =	seq.s32 s10, $0x1;
	s10 =	sld [smem:$0x3FB7];
	_ =	sdelay $0x3  }
0x37: {  	[smem:$0x3FB7] =	sst s10  }
0x38: {  	s10 =	sld [smem:$0x3FB8]  }
0x39: {  	_ = 	snop;
	(pc) =	sbr.ind lr, $3  }
0x3a: {  	_ = 	snop  }
0x3b: {  	_ = 	snop  }
0x3c: {  	p2 =	seq.s32 s10, $0x1;
	s10 =	sld [smem:$0x3FB7]  }
0x3d: {  	_ =	shalt  }
0x3e: {  	_ =	shalt  }
0x3f: {  	_ =	shalt  }
0x40: {  	_ =	shalt  }
0x41: {  	_ =	shalt  }
0x42: {  	_ =	shalt  }
0x43: {  	_ =	shalt  }
0x44: {  	_ =	shalt  }
0x45: {  	_ =	shalt  }
0x46: {  	_ =	shalt  }
0x47: {  	_ =	shalt  }
0x48: {  	_ =	shalt  }
0x49: {  	_ =	shalt  }
0x4a: {  	_ =	shalt  }
0x4b: {  	_ =	shalt  }
0x4c: {  	_ =	shalt  }
0x4d: {  	_ =	shalt  }
0x4e: {  	_ =	shalt  }
0x4f: {  	_ =	shalt  }
0x50: {  	_ =	shalt  }
0x51: {  	_ =	shalt  }
0x52: {  	_ =	shalt  }
0x53: {  	_ =	shalt  }
0x54: {  	_ =	shalt  }
0x55: {  	_ =	shalt  }
0x56: {  	_ =	shalt  }
0x57: {  	_ =	shalt  }
0x58: {  	_ =	shalt  }
0x59: {  	_ =	shalt  }
0x5a: {  	_ =	shalt  }
0x5b: {  	_ =	shalt  }
0x5c: {  	_ =	shalt  }
0x5d: {  	_ =	shalt  }
0x5e: {  	_ =	shalt  }
0x5f: {  	_ =	shalt  }
0x60: {  	_ =	shalt  }
0x61: {  	_ =	shalt  }
0x62: {  	_ =	shalt  }
0x63: {  	_ =	shalt  }
0x64: {  	_ =	shalt  }
0x65: {  	_ =	shalt  }
0x66: {  	_ =	shalt  }
0x67: {  	_ =	shalt  }
0x68: {  	_ =	shalt  }
0x69: {  	_ =	shalt  }
0x6a: {  	_ =	shalt  }
0x6b: {  	_ =	shalt  }
0x6c: {  	_ =	shalt  }
0x6d: {  	_ =	shalt  }
0x6e: {  	_ =	shalt  }
0x6f: {  	_ =	shalt  }
0x70: {  	_ =	shalt  }
0x71: {  	_ =	shalt  }
0x72: {  	_ =	shalt  }
0x73: {  	_ =	shalt  }
0x74: {  	_ =	shalt  }
0x75: {  	_ =	shalt  }
0x76: {  	_ =	shalt  }
0x77: {  	_ =	shalt  }
0x78: {  	_ =	shalt  }
0x79: {  	_ =	shalt  }
0x7a: {  	_ =	shalt  }
0x7b: {  	_ =	shalt  }
0x7c: {  	_ =	shalt  }
0x7d: {  	_ =	shalt  }
0x7e: {  	_ =	shalt  }
0x7f: {  	_ =	shalt  }
0x80: {  	_ =	shalt  }
0x81: {  	_ =	shalt  }
0x82: {  	_ =	shalt  }
0x83: {  	_ =	shalt  }
0x84: {  	_ =	shalt  }
0x85: {  	_ =	shalt  }
0x86: {  	_ =	shalt  }
0x87: {  	_ =	shalt  }
.Lfunc_end0:
.L_simem_size_0:
called_computation_lowered:
.L_overlay_start_0:
0x88: {  	s2 =	sld [smem:$0x3FD9]  }
0x89: {  	s3 =	sld [smem:$0x3FFE];
	_ =	sdelay $0x1  }
0x8a: {  	s1 =	srdreg.scid  }
0x8b: {  	s0 =	sand.u32 $0x1, s1  }
0x8c: {  	s17 =	sshll.u32 s0, $0xA;
	s2 =	sadd.s32 s3, s2  }
0x8d: {  	s2 =	sadd.s32 s2, s17  }
0x8e: {  	[smem:$0x3FC3] =	sst s2  }
0x8f: {  	_ = 	snop  }
0x90: {  	s2 =	sld [smem:$0x3FD0];
	(tm) =	ssettm $0x1  }
0x91: {  	s18 =	sld [smem:$0x3FFB];
	_ =	sdelay $0x3  }
0x92: {  	_ =	strace s18  }
0x93: {  	s3 =	sld [smem:$0x3FFC];
	_ =	sdelay $0x3  }
0x94: {  	_ =	strace s3  }
0x95: {  	s3 =	sld [smem:$0x3FFD];
	_ =	sdelay $0x3  }
0x96: {  	_ =	strace s3  }
0x97: {  	_ =	strace $0x8FFFFFFF  }
0x98: {  	s19 =	sld [smem:$0x3FDB];
	_ =	sdelay $0x1  }
0x99: {  	s4 =	simm.s32 $_scs_section_size  }
0x9a: {  	s5 =	simm.s32 $_size__tile_overlayer_lowered;
	s6 =	simm.s32 $_tile_overlayer_lowered  }
0x9b: {  	s22 =	simm.s32 $0x1BFF;
	s21 =	sshll.u32 s6, $0x1;
	s3 =	sadd.s32 s4, s19  }
0x9c: {  	s7 =	simm.s32 $0x0;
	s20 =	sshll.u32 s5, $0x1;
	s5 =	sadd.s32 s21, s3  }
0x9d: {  	[timem:s7], [sflag:s22] =	dma.local [hbm:s5], s20  }
0x9e: {  	_ =	swait.ge [sflag:s22], s20  }
0x9f: {  	s4 =	ssub.s32 $0x0, s20;
	[sflag:s22] =	ssyncset.done $0x0  }
0xa0: {  	[sflag:s22] =	ssyncadd.s32 s4;
	_ =	sdelay $0x1  }
0xa1: {  	s23 =	simm.s32 $0x1B8B  }
0xa2: {  	_ =	swait.ge [sflag:s23], $0x1  }
0xa3: {  	[sflag:s23] =	ssyncset.done $0x0  }
0xa4: {  	s25 =	simm.s32 $0x1B8E;
	s24 =	sld [smem:$0x3FFE];
	[sflag:s23] =	ssyncadd.s32 $0xFFFFFFFF  }
0xa5: {  	s26 =	simm.s32 $execute0_lowered;
	[smem:$0x3FD2] =	sst s25  }
0xa6: {  	s5 =	sshll.u32 s26, $0x1;
	_ =	strace $0x80000046;
	[dreg:$0x1] =	wrdreg $0xFFFFFFFF  }
0xa7: {  	s28 =	simm.s32 $_size_execute0_lowered;
	s3 =	sadd.s32 s3, s5;
	[dreg:$0x0] =	wrdreg $0x0  }
0xa8: {  	s5 =	sshll.u32 s28, $0x1;
	[dreg:$0x2] =	wrdreg s3  }
0xa9: {  	[dreg:$0x3] =	wrdreg s5  }
0xaa: {  	[dreg:$0x4] =	wrdreg $0xC0  }
0xab: {  	_ =	task [dreg:s7], $0x5FFFF  }
0xac: {  	[dreg:$0x1] =	wrdreg $0xFFFFFFFF  }
0xad: {  	[dreg:$0x0] =	wrdreg $0x60  }
0xae: {  	[dreg:$0x2] =	wrdreg s24  }
0xaf: {  	[dreg:$0x3] =	wrdreg s2  }
0xb0: {  	[dreg:$0x4] =	wrdreg $0x7B800  }
0xb1: {  	[dreg:$0x5] =	wrdreg $0x7DF80  }
0xb2: {  	[dreg:$0x6] =	wrdreg $0x9  }
0xb3: {  	_ =	task.clear_ibuf [dreg:s7], $0x7FFFF;
	_ =	strace $0x90000046  }
0xb4: {  	s29 =	simm.s32 $0x9;
	_ =	strace $0x80000048  }
0xb5: {  	_ =	swait.ge [sflag:s29], $0x1  }
0xb6: {  	[sflag:s29] =	ssyncadd.s32 $0xFFFFFFFF  }
0xb7: {  	_ =	strace $0x90000048  }
0xb8: {  	_ =	sfence  }
0xb9: {  	s30 =	sld [smem:$0x0];
	_ =	sdelay $0x2  }
0xba: {  	s31 =	sshll.u32 s1, $0xD;
	s1 =	sshrl.u32 s1, $0x2  }
0xbb: {  	s3 =	sand.u32 $0x4000, s31;
	s1 =	sadd.s32 s1, s30  }
0xbc: {  	s0 =	sor.u32 s3, s0;
	s1 =	sshll.u32 s1, $0x11  }
0xbd: {  	s0 =	sor.u32 s1, s0  }
0xbe: {  	s0 =	sadd.s32 $0x8F2B, s0  }
0xbf: {  	[sflag:s0] =	ssyncadd.remote.s32 $0x1  }
0xc0: {  	_ =	sfence.sel $0xFFFF  }
0xc1: {  	[dreg:$0x0] =	wrdreg $0xFFFFFFFF;
	(pc) =	sbr.abs _section_cstart, $3  }
0xc2: {  	[dreg:$0x1] =	wrdreg $0xFFFFFFFF  }
0xc3: {  	_ =	task.clear_ibuf [dreg:s7], $0x2FFFF;
	_ =	strace $0x9FFFFFFF  }
0xc4: {  	(tm) =	ssettm $0x7FFFFFFF  }
0xc5: {  	_ =	shalt  }
tec
execute0_lowered:
.L_overlay_start_1:
0x0: {  	(tag) =	ssettag $0x1  }
0x1: {  	s6 =	rddreg [dreg:$0x0]  }
0x2: {  	s7 =	rddreg [dreg:$0x1]  }
0x3: {  	s2 =	rddreg [dreg:$0x2]  }
0x4: {  	s3 =	rddreg [dreg:$0x3];
	s4 =	srdreg.scid  }
0x5: {  	s1 =	stileid.u32;
	s0 =	rddreg [dreg:$0x4];
	s15 =	simm.s32 $0x2800  }
0x6: {  	s16 =	simm.s32 $0x5000;
	s17 =	simm.s32 $0x7900;
	s18 =	simm.s32 $0x80  }
0x7: {  	s19 =	simm.s32 $0x7800;
	s20 =	simm.s32 $0x1;
	s21 =	simm.s32 $0x7880  }
0x8: {  	s22 =	simm.s32 $0x0;
	s8 =	sand.u32 $0x1, s4;
	s10 =	smul.u32 $0x278, s1  }
0x9: {  	s4 =	simm.s32 $0x0;
	s5 =	sshll.u32 s1, $0x1;
	s9 =	smul.u32 $0x2780, s8  }
0xa: {  	[smem:$0x7FF] =	sst s4;
	s5 =	sor.u32 s8, s5;
	s8 =	ssub.s32 $0x2, s8  }
0xb: {  	_ =	strace $0x80000047;
	s11 =	smul.u32 $0x500, s5;
	s9 =	sadd.s32 s10, s9  }
0xc: {  	s5 =	sadd.s32 $0x14E00, s6;
	s31 =	sshrl.u32 s8, $0x1;
	s9 =	sshrl.u32 s9, $0x3  }
0xd: {  	s14 =	ssub.s32 s8, s31;
	s12 =	sadd.s32 s11, s6;
	s13 =	sadd.s32 s9, s6  }
0xe: {  	s6 =	sadd.s32 s7, s11;
	s7 =	sadd.s32 $0xE00, s12;
	s8 =	sadd.s32 $0xAE00, s12  }
0xf: {  	s9 =	sadd.s32 s10, s2;
	s10 =	sadd.s32 s10, s3;
	s11 =	sadd.s32 $0x15400, s13  }
0x10: {  	v0 =	vimm.f32 $0.0e+00;
	s12 =	sadd.s32 $0x15E00, s13;
	s13 =	smax.u32 s14, $0x1;
	s14 =	simm.s32 $0x2  }
.LBB2_1:
0x11: {  	[tilespmem:s4], [sflag:$0x2] =	stream.linear.gather [hbm4b:s6+s4], $0x2800, $0x38;
	[tilespmem:$0x8070] =	vst v63  }
0x12: {  	_ =	swait.ge [sflag:s14], $0x2800  }
0x13: {  	[sflag:s14] =	ssyncset.done $0x0  }
0x14: {  	[sflag:s14] =	ssyncadd.s32 $0xFFFFD800  }
0x15: {  	[tilespmem:s15], [sflag:$0x2] =	stream.linear.gather [hbm4b:s7+s4], $0x2800, $0x38;
	[tilespmem:$0x8070] =	vst v63  }
0x16: {  	_ =	swait.ge [sflag:s14], $0x2800  }
0x17: {  	[sflag:s14] =	ssyncset.done $0x0  }
0x18: {  	[sflag:s14] =	ssyncadd.s32 $0xFFFFD800  }
0x19: {  	[tilespmem:s16], [sflag:$0x2] =	stream.linear.gather [hbm4b:s8+s4], $0x2800, $0x38;
	[tilespmem:$0x8070] =	vst v63  }
0x1a: {  	_ =	swait.ge [sflag:s14], $0x2800  }
0x1b: {  	[sflag:s14] =	ssyncset.done $0x0  }
0x1c: {  	[sflag:s14] =	ssyncadd.s32 $0xFFFFD800  }
0x1d: {  	[tilespmem:$0x7900] =	vst v0  }
0x1e: {  	[tilespmem:$0x7910] =	vst v0  }
0x1f: {  	[tilespmem:$0x7920] =	vst v0  }
0x20: {  	[tilespmem:$0x7930] =	vst v0  }
0x21: {  	[tilespmem:$0x7940] =	vst v0  }
0x22: {  	[tilespmem:$0x7950] =	vst v0  }
0x23: {  	[tilespmem:$0x7960] =	vst v0  }
0x24: {  	[tilespmem:$0x7970] =	vst v0  }
0x25: {  	[tilespmem:$0x7980] =	vst v0  }
0x26: {  	[tilespmem:$0x7990] =	vst v0  }
0x27: {  	[tilespmem:$0x79A0] =	vst v0  }
0x28: {  	[tilespmem:$0x79B0] =	vst v0  }
0x29: {  	[tilespmem:$0x79C0] =	vst v0  }
0x2a: {  	[tilespmem:$0x79D0] =	vst v0  }
0x2b: {  	[tilespmem:$0x79E0] =	vst v0  }
0x2c: {  	[tilespmem:$0x79F0] =	vst v0  }
0x2d: {  	[tilespmem:$0x7A00] =	vst v0  }
0x2e: {  	[tilespmem:$0x7A10] =	vst v0  }
0x2f: {  	[tilespmem:$0x7A20] =	vst v0  }
0x30: {  	[tilespmem:$0x7A30] =	vst v0  }
0x31: {  	[tilespmem:$0x7A40] =	vst v0  }
0x32: {  	[tilespmem:$0x7A50] =	vst v0  }
0x33: {  	[tilespmem:$0x7A60] =	vst v0  }
0x34: {  	[tilespmem:$0x7A70] =	vst v0  }
0x35: {  	[tilespmem:$0x7A80] =	vst v0  }
0x36: {  	[tilespmem:$0x7A90] =	vst v0  }
0x37: {  	[tilespmem:$0x7AA0] =	vst v0  }
0x38: {  	[tilespmem:$0x7AB0] =	vst v0  }
0x39: {  	[tilespmem:$0x7AC0] =	vst v0  }
0x3a: {  	[tilespmem:$0x7AD0] =	vst v0  }
0x3b: {  	[tilespmem:$0x7AE0] =	vst v0  }
0x3c: {  	[tilespmem:$0x7AF0] =	vst v0  }
0x3d: {  	[tilespmem:$0x7B00] =	vst v0  }
0x3e: {  	[tilespmem:$0x7B10] =	vst v0  }
0x3f: {  	[tilespmem:$0x7B20] =	vst v0  }
0x40: {  	[tilespmem:$0x7B30] =	vst v0  }
0x41: {  	[tilespmem:$0x7B40] =	vst v0  }
0x42: {  	[tilespmem:$0x7B50] =	vst v0  }
0x43: {  	[tilespmem:$0x7B60] =	vst v0  }
0x44: {  	[tilespmem:$0x7B70] =	vst v0  }
0x45: {  	[spmem:s9] =	stream.linear.scatter [tilespmem:s17], [sflag:$0x2], $0x278, $0x38;
	[tilespmem:$0x8070] =	vst v63  }
0x46: {  	_ =	swait.ge [sflag:s14], $0x278  }
0x47: {  	[sflag:s14] =	ssyncset.done $0x0  }
0x48: {  	[sflag:s14] =	ssyncadd.s32 $0xFFFFFD88  }
0x49: {  	[spmem:s10] =	stream.linear.scatter [tilespmem:s17], [sflag:$0x2], $0x278, $0x38;
	[tilespmem:$0x8070] =	vst v63  }
0x4a: {  	_ =	swait.ge [sflag:s14], $0x278  }
0x4b: {  	[sflag:s14] =	ssyncset.done $0x0  }
0x4c: {  	[sflag:s14] =	ssyncadd.s32 $0xFFFFFD88  }
0x4d: {  	s23 =	simm.s32 $0x0;
	[bflag:$0x0] =	sbarrier.arrive $0xFFFF  }
0x4e: {  	[tilespmem:s19], [sflag:$0x1] =	stream.indirect.gather [hbm4b:s5+s18], $0x1, s23, s18, $0xb8;
	[tilespmem:$0x8070] =	vst v63  }
0x4f: {  	_ =	swait.ge [sflag:s20], $0x80  }
0x50: {  	[sflag:s20] =	ssyncset.done $0x0  }
0x51: {  	[sflag:s20] =	ssyncadd.s32 $0xFFFFFF80  }
0x52: {  	v1 =	vld [tilespmem:$0x7800]  }
0x53: {  	v2 =	vld [tilespmem:s23+$0x5000];
	_ =	sdelay $0x4  }
0x54: {  	v1 =	vmul.f32 v2, v1;
	_ =	sdelay $0x1  }
0x55: {  	[tilespmem:$0x7880] =	vst v1;
	v1 =	vld [tilespmem:$0x7810]  }
0x56: {  	v2 =	vld [tilespmem:s23+$0x5010];
	_ =	sdelay $0x4  }
0x57: {  	v1 =	vmul.f32 v2, v1;
	_ =	sdelay $0x1  }
0x58: {  	[tilespmem:$0x7890] =	vst v1;
	v1 =	vld [tilespmem:$0x7820]  }
0x59: {  	v2 =	vld [tilespmem:s23+$0x5020];
	_ =	sdelay $0x4  }
0x5a: {  	v1 =	vmul.f32 v2, v1;
	_ =	sdelay $0x1  }
0x5b: {  	[tilespmem:$0x78A0] =	vst v1;
	v1 =	vld [tilespmem:$0x7830]  }
0x5c: {  	v2 =	vld [tilespmem:s23+$0x5030];
	_ =	sdelay $0x4  }
0x5d: {  	v1 =	vmul.f32 v2, v1;
	_ =	sdelay $0x1  }
0x5e: {  	[tilespmem:$0x78B0] =	vst v1;
	v1 =	vld [tilespmem:$0x7840]  }
0x5f: {  	v2 =	vld [tilespmem:s23+$0x5040];
	_ =	sdelay $0x4  }
0x60: {  	v1 =	vmul.f32 v2, v1;
	_ =	sdelay $0x1  }
0x61: {  	[tilespmem:$0x78C0] =	vst v1;
	v1 =	vld [tilespmem:$0x7850]  }
0x62: {  	v2 =	vld [tilespmem:s23+$0x5050];
	_ =	sdelay $0x4  }
0x63: {  	v1 =	vmul.f32 v2, v1;
	_ =	sdelay $0x1  }
0x64: {  	[tilespmem:$0x78D0] =	vst v1;
	v1 =	vld [tilespmem:$0x7860]  }
0x65: {  	v2 =	vld [tilespmem:s23+$0x5060];
	_ =	sdelay $0x4  }
0x66: {  	v1 =	vmul.f32 v2, v1;
	_ =	sdelay $0x1  }
0x67: {  	[tilespmem:$0x78E0] =	vst v1;
	v1 =	vld [tilespmem:$0x7870]  }
0x68: {  	v2 =	vld [tilespmem:s23+$0x5070];
	_ =	sdelay $0x4  }
0x69: {  	v1 =	vmul.f32 v2, v1;
	_ =	sdelay $0x1  }
0x6a: {  	s31 =	simm.s32 $0x5000;
	s24 =	simm.s32 $0x2800;
	[tilespmem:$0x78F0] =	vst v1  }
0x6b: {  	[spmem:s2] =	stream.indirect.scatter.add.f32 [tilespmem:s31], [sflag:$0x2], $0x1, s24, s18, $0xb8;
	[tilespmem:$0x8070] =	vst v63  }
0x6c: {  	_ =	swait.ge [sflag:s14], $0x80  }
0x6d: {  	[sflag:s14] =	ssyncset.done $0x0  }
0x6e: {  	[sflag:s14] =	ssyncadd.s32 $0xFFFFFF80  }
0x6f: {  	[spmem:s3] =	stream.indirect.scatter.add.f32 [tilespmem:s21], [sflag:$0x2], $0x1, s24, s18, $0xb8;
	[tilespmem:$0x8070] =	vst v63  }
0x70: {  	s23 =	simm.s32 $0x200;
	_ =	swait.ge [sflag:s14], $0x80  }
.LBB2_2:
0x71: {  	p0 =	sne.s32 s23, $0x9E00  }
0x72: {  	[sflag:s14] =	ssyncset.done $0x0;
	s24 =	smov.u32 s23;
	s23 =	sadd.s32 $0x200, s23  }
0x73: {  	s24 =	sshra.s32 s24, $0x2;
	[sflag:s14] =	ssyncadd.s32 $0xFFFFFF80  }
0x74: {  	[tilespmem:s19], [sflag:$0x1] =	stream.indirect.gather [hbm4b:s5+s18], $0x1, s24, s18, $0xb8;
	[tilespmem:$0x8070] =	vst v63  }
0x75: {  	_ =	swait.ge [sflag:s20], $0x80  }
0x76: {  	[sflag:s20] =	ssyncset.done $0x0  }
0x77: {  	[sflag:s20] =	ssyncadd.s32 $0xFFFFFF80  }
0x78: {  	v1 =	vld [tilespmem:$0x7800]  }
0x79: {  	v2 =	vld [tilespmem:s24+$0x5000];
	_ =	sdelay $0x4  }
0x7a: {  	v1 =	vmul.f32 v2, v1;
	_ =	sdelay $0x1  }
0x7b: {  	[tilespmem:$0x7880] =	vst v1;
	v1 =	vld [tilespmem:$0x7810]  }
0x7c: {  	v2 =	vld [tilespmem:s24+$0x5010];
	_ =	sdelay $0x4  }
0x7d: {  	v1 =	vmul.f32 v2, v1;
	_ =	sdelay $0x1  }
0x7e: {  	[tilespmem:$0x7890] =	vst v1;
	v1 =	vld [tilespmem:$0x7820]  }
0x7f: {  	v2 =	vld [tilespmem:s24+$0x5020];
	_ =	sdelay $0x4  }
0x80: {  	v1 =	vmul.f32 v2, v1;
	_ =	sdelay $0x1  }
0x81: {  	[tilespmem:$0x78A0] =	vst v1;
	v1 =	vld [tilespmem:$0x7830]  }
0x82: {  	v2 =	vld [tilespmem:s24+$0x5030];
	_ =	sdelay $0x4  }
0x83: {  	v1 =	vmul.f32 v2, v1;
	_ =	sdelay $0x1  }
0x84: {  	[tilespmem:$0x78B0] =	vst v1;
	v1 =	vld [tilespmem:$0x7840]  }
0x85: {  	v2 =	vld [tilespmem:s24+$0x5040];
	_ =	sdelay $0x4  }
0x86: {  	v1 =	vmul.f32 v2, v1;
	_ =	sdelay $0x1  }
0x87: {  	[tilespmem:$0x78C0] =	vst v1;
	v1 =	vld [tilespmem:$0x7850]  }
0x88: {  	v2 =	vld [tilespmem:s24+$0x5050];
	_ =	sdelay $0x4  }
0x89: {  	v1 =	vmul.f32 v2, v1;
	_ =	sdelay $0x1  }
0x8a: {  	[tilespmem:$0x78D0] =	vst v1;
	v1 =	vld [tilespmem:$0x7860]  }
0x8b: {  	v2 =	vld [tilespmem:s24+$0x5060];
	_ =	sdelay $0x4  }
0x8c: {  	v1 =	vmul.f32 v2, v1;
	_ =	sdelay $0x1  }
0x8d: {  	[tilespmem:$0x78E0] =	vst v1;
	v1 =	vld [tilespmem:$0x7870]  }
0x8e: {  	v2 =	vld [tilespmem:s24+$0x5070];
	_ =	sdelay $0x4  }
0x8f: {  	v1 =	vmul.f32 v2, v1  }
0x90: {  	s25 =	sadd.s32 $0x5000, s24;
	s24 =	sadd.s32 $0x2800, s24  }
0x91: {  	[tilespmem:$0x78F0] =	vst v1  }
0x92: {  	[spmem:s2] =	stream.indirect.scatter.add.f32 [tilespmem:s25], [sflag:$0x2], $0x1, s24, s18, $0xb8;
	[tilespmem:$0x8070] =	vst v63  }
.Ltmp0:
0x93: {  	_ =	swait.ge [sflag:s14], $0x80;
	(pc) =	sbr.rel @p0 .LBB2_2-.Ltmp0, $4  }
0x94: {  	[sflag:s14] =	ssyncset.done $0x0  }
0x95: {  	[sflag:s14] =	ssyncadd.s32 $0xFFFFFF80  }
0x96: {  	[spmem:s3] =	stream.indirect.scatter.add.f32 [tilespmem:s21], [sflag:$0x2], $0x1, s24, s18, $0xb8;
	[tilespmem:$0x8070] =	vst v63  }
0x97: {  	_ =	swait.ge [sflag:s14], $0x80  }
0x98: {  	[sflag:s14] =	ssyncset.done $0x0  }
0x99: {  	[sflag:s14] =	ssyncadd.s32 $0xFFFFFF80  }
0x9a: {  	[bflag:$0x0] =	sbarrier.arrive $0xFFFF  }
0x9b: {  	[tilespmem:s17], [sflag:$0x2] =	stream.linear.gather [spmem:s9], $0x278, $0x38;
	[tilespmem:$0x8070] =	vst v63  }
0x9c: {  	_ =	swait.ge [sflag:s14], $0x278  }
0x9d: {  	[sflag:s14] =	ssyncset.done $0x0  }
0x9e: {  	[sflag:s14] =	ssyncadd.s32 $0xFFFFFD88  }
0x9f: {  	[hbm4b:s11+s4] =	stream.linear.scatter [tilespmem:s17], [sflag:$0x2], $0x278, $0x38;
	[tilespmem:$0x8070] =	vst v63  }
0xa0: {  	_ =	swait.ge [sflag:s14], $0x278  }
0xa1: {  	[sflag:s14] =	ssyncset.done $0x0  }
0xa2: {  	[sflag:s14] =	ssyncadd.s32 $0xFFFFFD88  }
0xa3: {  	[tilespmem:s17], [sflag:$0x2] =	stream.linear.gather [spmem:s10], $0x278, $0x38;
	[tilespmem:$0x8070] =	vst v63  }
0xa4: {  	s22 =	sadd.s32 $0x1, s22;
	_ =	swait.ge [sflag:s14], $0x278  }
0xa5: {  	p0 =	sne.s32 s22, s13;
	[sflag:s14] =	ssyncset.done $0x0  }
.Ltmp1:
0xa6: {  	[sflag:s14] =	ssyncadd.s32 $0xFFFFFD88;
	(pc) =	sbr.rel @p0 .LBB2_1-.Ltmp1, $4  }
0xa7: {  	[hbm4b:s12+s4] =	stream.linear.scatter [tilespmem:s17], [sflag:$0x2], $0x278, $0x38;
	[tilespmem:$0x8070] =	vst v63  }
0xa8: {  	_ =	swait.ge [sflag:s14], $0x278  }
0xa9: {  	[sflag:s14] =	ssyncset.done $0x0  }
0xaa: {  	[sflag:s14] =	ssyncadd.s32 $0xFFFFFD88  }
0xab: {  	_ =	sfence.sel $0x180000  }
0xac: {  	[bflag:$0x0] =	sbarrier.arrive $0xFFFF  }
0xad: {  	p0 =	sne.s32 s1, $0x0;
	_ =	strace $0x90000047  }
0xae: {  	s0 =	sadd.s32 @!p0 $0x100000, s0;
	[bflag:$0x2] =	sbarrier.arrive $0xFFFF  }
0xaf: {  	[sflag:s0] =	ssyncadd.tile.s32 @!p0 $0x1;
	_ =	shalt  }
.Lfunc_end2:
_tile_overlayer_lowered:
.L_overlay_start_2:
0xb0: {  	(tag) =	ssettag $0x2  }
0xb1: {  	s0 =	rddreg [dreg:$0x0];
	s2 =	stileid.u32  }
0xb2: {  	s1 =	rddreg [dreg:$0x1];
	p0 =	sne.s32 s2, $0x0  }
0xb3: {  	s3 =	rddreg [dreg:$0x2];
	[bflag:$0x3] =	sbarrier.arrive $0xFFFF;
	s2 =	simm.s32 @!p0 $0x1C02  }
0xb4: {  	[timem:s3], [sflag:s2] =	dma.local @!p0 [hbm:s0], s1  }
0xb5: {  	s0 =	simm.s32 @!p0 $0x2  }
0xb6: {  	_ =	swait.ge @!p0 [sflag:s0], s1  }
0xb7: {  	s1 =	ssub.s32 @!p0 $0x0, s1;
	[sflag:s0] =	ssyncset.done @!p0 $0x0  }
0xb8: {  	[sflag:s0] =	ssyncadd.s32 @!p0 s1  }
0xb9: {  	[bflag:$0x3] =	sbarrier.arrive $0xFFFF  }
0xba: {  	_ =	shalt  }

</sc_bundles>
